<compile_context>
chip_gen: v7x
topology: tpu7x:2x2x1
jax: 0.10.2.dev20260603
libtpu: 0.0.44.dev20260713+nightly
codegen_flags: <defaults>
</compile_context>

<pallas_src>
import jax
import jax.numpy as jnp
from jax import lax
from jax.experimental import pallas as pl
from jax.experimental.pallas import tpu as pltpu
from jax.experimental.pallas import tpu_sc as plsc

N_NODES = 10000
N_EDGES = 320000
D = 128

NC = 2
NS = 16
NW = NC * NS

K = 128
CH = 80
E_PER_W = CH * K
ROWS = 10240
RPT = ROWS // NS
DEG_PER_W = N_EDGES // NW

_mesh = plsc.VectorSubcoreMesh(
    core_axis_name="c", subcore_axis_name="s", num_cores=NC, num_subcores=NS
)


def _deg_body(dst_hbm, out_hbm, idx_v, degv):
    w = lax.axis_index("s") * NC + lax.axis_index("c")
    pltpu.sync_copy(dst_hbm.at[w], idx_v)

    def zero(i, _):
        degv[i // 8, pl.ds((i % 8) * 16, 16)] = jnp.zeros((16,), jnp.float32)
        return 0

    lax.fori_loop(0, ROWS // 16, zero, 0)

    ones = jnp.ones((16,), jnp.float32)

    def add(i, _):
        idx = idx_v[pl.ds(i * 16, 16)]
        plsc.addupdate_scatter(degv, [idx >> 7, idx & 127], ones)
        return 0

    lax.fori_loop(0, DEG_PER_W // 16, add, 0)
    pltpu.sync_copy(degv, out_hbm.at[w])


def _deg(dst_by_w):
    return pl.kernel(
        _deg_body,
        out_type=jax.ShapeDtypeStruct((NW, ROWS // 128, 128), jnp.float32),
        mesh=_mesh,
        scratch_types=[
            pltpu.VMEM((DEG_PER_W,), jnp.int32),
            pltpu.VMEM((ROWS // 128, 128), jnp.float32),
        ],
        compiler_params=pltpu.CompilerParams(needs_layout_passes=False),
    )(dst_by_w)


def _scale_body(x_ref, w_ref, degp_ref, g_ref):
    h = jnp.dot(x_ref[...], w_ref[...], preferred_element_type=jnp.float32)
    deg = jnp.sum(degp_ref[...], axis=0) + 2.0
    dinv = lax.rsqrt(deg)[:, None]
    g_ref[...] = dinv * h


def _scale(x_pad, W, deg_p):
    blk = 1024
    return pl.pallas_call(
        _scale_body,
        grid=(ROWS // blk,),
        in_specs=[
            pl.BlockSpec((blk, D), lambda i: (i, 0)),
            pl.BlockSpec((D, D), lambda i: (0, 0)),
            pl.BlockSpec((NW, blk), lambda i: (0, i)),
        ],
        out_specs=pl.BlockSpec((blk, D), lambda i: (i, 0)),
        out_shape=jax.ShapeDtypeStruct((ROWS, D), jnp.float32),
    )(x_pad, W, deg_p)


def _scatter_body(g_hbm, ei_hbm, out_hbm, idx_v, rows_v, isem, gsem, acc):
    cid = lax.axis_index("c")
    sid = lax.axis_index("s")
    w = sid * NC + cid

    def zrow(i, _):
        rows_v[0, i // 8, pl.ds((i % 8) * 16, 16)] = jnp.zeros((16,),
                                                               jnp.float32)
        return 0

    lax.fori_loop(0, 64 * 8, zrow, 0)
    base = sid * RPT

    def zacc(j, _):
        pltpu.sync_copy(rows_v.at[0, pl.ds(0, 64)],
                        acc.at[pl.ds(base + j * 64, 64)])
        return 0

    lax.fori_loop(0, RPT // 64, zacc, 0)
    plsc.subcore_barrier()

    def start_idx(c, p):
        pltpu.async_copy(ei_hbm.at[w, c], idx_v.at[p], isem.at[p])

    def wait_idx(c, p):
        pltpu.make_async_copy(ei_hbm.at[w, c], idx_v.at[p],
                              isem.at[p]).wait()

    def start_gather(b):
        pltpu.async_copy(g_hbm.at[idx_v.at[b & 3, 0]], rows_v.at[b & 1],
                         gsem.at[b & 1])

    def wait_gather(b):
        pltpu.make_async_copy(g_hbm.at[idx_v.at[b & 3, 0]],
                              rows_v.at[b & 1], gsem.at[b & 1]).wait()

    for p in range(4):
        start_idx(p, p)
    wait_idx(0, 0)
    start_gather(0)

    def quad(i, _):
        c0 = 4 * i
        for j in range(4):
            c = c0 + j

            @pl.when(c + 1 < CH)
            def _():
                wait_idx(c + 1, (j + 1) & 3)
                start_gather(c + 1)

            wait_gather(c)
            pltpu.sync_copy(rows_v.at[c & 1], acc.at[idx_v.at[j, 1]],
                            add=True)

            @pl.when(c + 4 < CH)
            def _():
                start_idx(c + 4, j)

        return 0

    lax.fori_loop(0, CH // 4, quad, 0)
    plsc.subcore_barrier()

    pltpu.sync_copy(acc.at[pl.ds(base, RPT)],
                    out_hbm.at[cid, pl.ds(base, RPT)])


def _scatter(g, ei_by_w):
    return pl.kernel(
        _scatter_body,
        out_type=jax.ShapeDtypeStruct((NC, ROWS, D), jnp.float32),
        mesh=_mesh,
        scratch_types=[
            pltpu.VMEM((4, 2, K), jnp.int32),
            pltpu.VMEM((2, K, D), jnp.float32),
            pltpu.SemaphoreType.DMA((4,)),
            pltpu.SemaphoreType.DMA((2,)),
            pltpu.VMEM_SHARED((ROWS, D), jnp.float32),
        ],
        compiler_params=pltpu.CompilerParams(needs_layout_passes=False),
    )(g, ei_by_w)


def _final_body(p_ref, g_ref, degp_ref, b_ref, o_ref):
    deg = jnp.sum(degp_ref[...], axis=0) + 2.0
    dinv = lax.rsqrt(deg)[:, None]
    o_ref[...] = dinv * (p_ref[0] + p_ref[1] + 2.0 * g_ref[...]) + b_ref[...]


def _final(p, g, deg_p, b):
    blk = 1024
    return pl.pallas_call(
        _final_body,
        grid=(ROWS // blk,),
        in_specs=[
            pl.BlockSpec((NC, blk, D), lambda i: (0, i, 0)),
            pl.BlockSpec((blk, D), lambda i: (i, 0)),
            pl.BlockSpec((NW, blk), lambda i: (0, i)),
            pl.BlockSpec((1, D), lambda i: (0, 0)),
        ],
        out_specs=pl.BlockSpec((blk, D), lambda i: (i, 0)),
        out_shape=jax.ShapeDtypeStruct((ROWS, D), jnp.float32),
    )(p, g, deg_p, b)


def kernel(x, edge_index, W, b):
    src = edge_index[0].astype(jnp.int32)
    dst = edge_index[1].astype(jnp.int32)

    pad = NW * E_PER_W - N_EDGES
    src_by_w = jnp.concatenate(
        [src, jnp.full((pad,), N_NODES, jnp.int32)]).reshape(NW, CH, K)
    dst_by_w = jnp.concatenate(
        [dst, jnp.full((pad,), N_NODES, jnp.int32)]).reshape(NW, CH, K)
    ei_by_w = jnp.stack([src_by_w, dst_by_w], axis=2)
    dst_deg = dst.reshape(NW, DEG_PER_W)

    x_pad = jnp.pad(x, ((0, ROWS - N_NODES), (0, 0)))

    deg_p = _deg(dst_deg).reshape(NW, ROWS)
    g = _scale(x_pad, W, deg_p)
    p = _scatter(g, ei_by_w)
    out = _final(p, g, deg_p, b.reshape(1, D))
    return out[:N_NODES]

# --- scband reference (transcript-rebuilt; emitter-appended) ---
"""Pipeline reference for scband-path-finding-network-52424370815010 (READ-ONLY COPY).

The authoritative reference and input builder live on the scoring server;
editing this copy changes nothing except your own understanding.
"""

import jax, jax.numpy as jnp
import numpy as np

N_NODES = 10000
N_EDGES = 320000
D_IN = 128
D_OUT = 128


def setup_inputs(seed: int = 0) -> dict:
    key = jax.random.key(seed)
    k_x, k_ei, k_w, k_b = jax.random.split(key, 4)
    x = jax.random.normal(k_x, (N_NODES, D_IN), dtype=jnp.float32)
    edge_index = jax.random.randint(k_ei, (2, N_EDGES), 0, N_NODES, dtype=jnp.int64)
    # GCNConv learned parameters (glorot-style scale)
    W = jax.random.normal(k_w, (D_IN, D_OUT), dtype=jnp.float32) * (1.0 / np.sqrt(D_IN))
    b = jnp.zeros((D_OUT,), dtype=jnp.float32)
    return {"x": x, "edge_index": edge_index, "W": W, "b": b}


def reference(x, edge_index, W, b):
    # Faithful GCNConv(improved=True) forward:
    #   x' = x @ W
    #   add self-loops with edge weight 2.0 (improved=True)
    #   symmetric normalization: norm = deg^-1/2[src] * w * deg^-1/2[dst]
    #   out[dst] += norm * x'[src]; out += bias
    N = x.shape[0]
    h = x @ W
    src = edge_index[0]
    dst = edge_index[1]
    loop = jnp.arange(N, dtype=edge_index.dtype)
    src_full = jnp.concatenate([src, loop])
    dst_full = jnp.concatenate([dst, loop])
    ew = jnp.concatenate([
        jnp.ones((src.shape[0],), dtype=h.dtype),
        jnp.full((N,), 2.0, dtype=h.dtype),
    ])
    deg = jnp.zeros((N,), dtype=h.dtype).at[dst_full].add(ew)
    deg_inv_sqrt = jnp.where(deg > 0, jax.lax.rsqrt(jnp.maximum(deg, 1e-12)), 0.0)
    norm = deg_inv_sqrt[src_full] * ew * deg_inv_sqrt[dst_full]
    msgs = norm[:, None] * jnp.take(h, src_full, axis=0)
    out = jnp.zeros((N, h.shape[1]), dtype=h.dtype).at[dst_full].add(msgs)
    return out + b

if __name__ == "__main__":
    import jax
    _d = setup_inputs()
    print(jax.jit(kernel)(*tuple(_d.values())))

</pallas_src>

<mosaic_0001>
#map = affine_map<(d0, d1) -> (0, 0)>
#map1 = affine_map<(d0, d1) -> (0, 0, 0)>
module attributes {stable_mosaic.version = 14 : i64} {
  func.func @_deg_body(%arg0: i32, %arg1: i32, %arg2: memref<32x10000xi32, #tpu.memory_space<hbm>>, %arg3: memref<32x80x128xf32, #tpu.memory_space<hbm>>, %arg4: memref<10000xi32, #tpu.memory_space<vmem>>, %arg5: memref<80x128xf32, #tpu.memory_space<vmem>>) attributes {dimension_semantics = [#tpu.dimension_semantics<core_parallel>, #tpu.dimension_semantics<subcore_parallel>], iteration_bounds = array<i64: 2, 16>, scalar_prefetch = 0 : i64, scratch_operands = 2 : i64, tpu.core_type = #tpu.core_type<sc_vector_subcore>, window_params = [{transform_indices = #map}, {transform_indices = #map1}]} {
    %mul3A = arith.constant 2 : i32
    %mul3A_0 = arith.muli %arg1, %mul3A : i32
    %add3A = arith.addi %mul3A_0, %arg0 : i32
    "tpu.region"() ({
      %run_scoped3A = tpu.sem_alloc : memref<!tpu.dma_semaphore, #tpu.memory_space<semaphore_mem>>
      %dma_start3A = arith.constant 0 : i32
      %dma_start3A_15 = tpu.memref_slice %arg2[%add3A, %dma_start3A] : memref<32x10000xi32, #tpu.memory_space<hbm>> -> memref<1x10000xi32, #tpu.memory_space<hbm>>
      %dma_start3A_16 = tpu.memref_squeeze %dma_start3A_15 : memref<1x10000xi32, #tpu.memory_space<hbm>> -> memref<10000xi32, #tpu.memory_space<hbm>>
      %dma_start3A_17 = arith.constant 0 : i32
      %dma_start3A_18 = tpu.memref_slice %arg2[%add3A, %dma_start3A_17] : memref<32x10000xi32, #tpu.memory_space<hbm>> -> memref<1x10000xi32, #tpu.memory_space<hbm>>
      %dma_start3A_19 = tpu.memref_squeeze %dma_start3A_18 : memref<1x10000xi32, #tpu.memory_space<hbm>> -> memref<10000xi32, #tpu.memory_space<hbm>>
      tpu.enqueue_dma source(%dma_start3A_19 : memref<10000xi32, #tpu.memory_space<hbm>>) target(%arg4 : memref<10000xi32, #tpu.memory_space<vmem>>) target_semaphore(%run_scoped3A : memref<!tpu.dma_semaphore, #tpu.memory_space<semaphore_mem>>)
      %dma_wait3A = arith.constant 0 : i32
      %dma_wait3A_20 = tpu.memref_slice %arg2[%add3A, %dma_wait3A] : memref<32x10000xi32, #tpu.memory_space<hbm>> -> memref<1x10000xi32, #tpu.memory_space<hbm>>
      %dma_wait3A_21 = tpu.memref_squeeze %dma_wait3A_20 : memref<1x10000xi32, #tpu.memory_space<hbm>> -> memref<10000xi32, #tpu.memory_space<hbm>>
      %dma_wait3A_22 = arith.constant 0 : i32
      %dma_wait3A_23 = tpu.memref_slice %arg2[%add3A, %dma_wait3A_22] : memref<32x10000xi32, #tpu.memory_space<hbm>> -> memref<1x10000xi32, #tpu.memory_space<hbm>>
      %dma_wait3A_24 = tpu.memref_squeeze %dma_wait3A_23 : memref<1x10000xi32, #tpu.memory_space<hbm>> -> memref<10000xi32, #tpu.memory_space<hbm>>
      tpu.wait_dma2 semaphore(%run_scoped3A : memref<!tpu.dma_semaphore, #tpu.memory_space<semaphore_mem>>) src(%dma_wait3A_24 : memref<10000xi32, #tpu.memory_space<hbm>>) dst(%arg4 : memref<10000xi32, #tpu.memory_space<vmem>>)
      tpu.yield
    }) : () -> ()
    %scan3A = arith.constant 0 : i32
    %scan3A_1 = arith.constant 0 : i32
    %scan3A_2 = arith.constant 640 : i32
    %scan3A_3 = arith.addi %scan3A_1, %scan3A_2 : i32
    %scan3A_4 = arith.constant 1 : i32
    %scan3A_5 = scf.for %scan3A_15 = %scan3A_1 to %scan3A_3 step %scan3A_4 iter_args(%scan3A_16 = %scan3A) -> (i32)  : i32 {
      %broadcast_in_dim3A_17 = arith.constant 0.000000e+00 : f32
      %broadcast_in_dim3A_18 = vector.broadcast %broadcast_in_dim3A_17 : f32 to vector<16xf32>
      %jit3A = arith.constant 8 : i32
      %div3A = arith.divsi %scan3A_15, %jit3A : i32
      %sign3A = arith.constant 0 : i32
      %sign3A_19 = arith.cmpi sgt, %scan3A_15, %sign3A : i32
      %sign3A_20 = arith.extui %sign3A_19 : i1 to i32
      %sign3A_21 = arith.constant 0 : i32
      %sign3A_22 = arith.cmpi slt, %scan3A_15, %sign3A_21 : i32
      %sign3A_23 = arith.extui %sign3A_22 : i1 to i32
      %sign3A_24 = arith.subi %sign3A_20, %sign3A_23 : i32
      %sign3A_25 = arith.constant 0 : i32
      %sign3A_26 = arith.cmpi sgt, %jit3A, %sign3A_25 : i32
      %sign3A_27 = arith.extui %sign3A_26 : i1 to i32
      %sign3A_28 = arith.constant 0 : i32
      %sign3A_29 = arith.cmpi slt, %jit3A, %sign3A_28 : i32
      %sign3A_30 = arith.extui %sign3A_29 : i1 to i32
      %sign3A_31 = arith.subi %sign3A_27, %sign3A_30 : i32
      %ne3A = arith.cmpi ne, %sign3A_24, %sign3A_31 : i32
      %rem3A = arith.remsi %scan3A_15, %jit3A : i32
      %ne3A_32 = arith.constant 0 : i32
      %ne3A_33 = arith.cmpi ne, %rem3A, %ne3A_32 : i32
      %and3A = arith.andi %ne3A, %ne3A_33 : i1
      %sub3A = arith.constant 1 : i32
      %sub3A_34 = arith.subi %div3A, %sub3A : i32
      %select_n3A = arith.select %and3A, %sub3A_34, %div3A : i32
      %jit3A_35 = arith.constant 8 : i32
      %eq3A = arith.constant 0 : i32
      %eq3A_36 = arith.cmpi eq, %jit3A_35, %eq3A : i32
      %jit3A_37 = arith.constant 1 : i32
      %select_n3A_38 = arith.select %eq3A_36, %jit3A_37, %jit3A_35 : i32
      %rem3A_39 = arith.remsi %scan3A_15, %select_n3A_38 : i32
      %ne3A_40 = arith.constant 0 : i32
      %ne3A_41 = arith.cmpi ne, %rem3A_39, %ne3A_40 : i32
      %lt3A = arith.constant 0 : i32
      %lt3A_42 = arith.cmpi slt, %rem3A_39, %lt3A : i32
      %lt3A_43 = arith.constant 0 : i32
      %lt3A_44 = arith.cmpi slt, %select_n3A_38, %lt3A_43 : i32
      %ne3A_45 = arith.xori %lt3A_42, %lt3A_44 : i1
      %and3A_46 = arith.andi %ne3A_45, %ne3A_41 : i1
      %add3A_47 = arith.addi %rem3A_39, %select_n3A_38 : i32
      %select_n3A_48 = arith.select %and3A_46, %add3A_47, %rem3A_39 : i32
      %mul3A_49 = arith.constant 16 : i32
      %mul3A_50 = arith.muli %select_n3A_48, %mul3A_49 : i32
      %swap3A = arith.index_cast %select_n3A : i32 to index
      %swap3A_51 = arith.index_cast %mul3A_50 : i32 to index
      %swap3A_52 = tpu.vector_load %arg5[%swap3A, %swap3A_51] {strides = array<i32>} : memref<80x128xf32, #tpu.memory_space<vmem>>, vector<16xf32>,
      tpu.vector_store %arg5[%swap3A, %swap3A_51], %broadcast_in_dim3A_18 {strides = array<i32>} : memref<80x128xf32, #tpu.memory_space<vmem>>, vector<16xf32>,
      %scan3A_53 = arith.constant 0 : i32
      scf.yield %scan3A_53 : i32
    }
    %scan3A_6 = arith.constant 640 : i32
    %broadcast_in_dim3A = arith.constant 1.000000e+00 : f32
    %broadcast_in_dim3A_7 = vector.broadcast %broadcast_in_dim3A : f32 to vector<16xf32>
    %scan3A_8 = arith.constant 0 : i32
    %scan3A_9 = arith.constant 0 : i32
    %scan3A_10 = arith.constant 625 : i32
    %scan3A_11 = arith.addi %scan3A_9, %scan3A_10 : i32
    %scan3A_12 = arith.constant 1 : i32
    %scan3A_13 = scf.for %scan3A_15 = %scan3A_9 to %scan3A_11 step %scan3A_12 iter_args(%scan3A_16 = %scan3A_8) -> (i32)  : i32 {
      %mul3A_17 = arith.constant 16 : i32
      %mul3A_18 = arith.muli %scan3A_15, %mul3A_17 : i32
      %get3A = arith.index_cast %mul3A_18 : i32 to index
      %get3A_19 = tpu.vector_load %arg4[%get3A] {strides = array<i32>} : memref<10000xi32, #tpu.memory_space<vmem>>, vector<16xi32>,
      %shift_right_arithmetic3A = arith.constant 7 : i32
      %shift_right_arithmetic3A_20 = vector.broadcast %shift_right_arithmetic3A : i32 to vector<16xi32>
      %shift_right_arithmetic3A_21 = arith.shrsi %get3A_19, %shift_right_arithmetic3A_20 : vector<16xi32>
      %and3A = arith.constant 127 : i32
      %and3A_22 = vector.broadcast %and3A : i32 to vector<16xi32>
      %and3A_23 = arith.andi %get3A_19, %and3A_22 : vector<16xi32>
      tpu.vector_store_idx %arg5[%shift_right_arithmetic3A_21, %and3A_23], %broadcast_in_dim3A_7 {add = true} : memref<80x128xf32, #tpu.memory_space<vmem>>[vector<16xi32>, vector<16xi32>], vector<16xf32>,
      %scan3A_24 = arith.constant 0 : i32
      scf.yield %scan3A_24 : i32
    }
    %scan3A_14 = arith.constant 625 : i32
    "tpu.region"() ({
      %run_scoped3A = tpu.sem_alloc : memref<!tpu.dma_semaphore, #tpu.memory_space<semaphore_mem>>
      %dma_start3A = arith.constant 0 : i32
      %dma_start3A_15 = arith.constant 0 : i32
      %dma_start3A_16 = tpu.memref_slice %arg3[%add3A, %dma_start3A, %dma_start3A_15] : memref<32x80x128xf32, #tpu.memory_space<hbm>> -> memref<1x80x128xf32, #tpu.memory_space<hbm>>
      %dma_start3A_17 = tpu.memref_squeeze %dma_start3A_16 : memref<1x80x128xf32, #tpu.memory_space<hbm>> -> memref<80x128xf32, #tpu.memory_space<hbm>>
      %dma_start3A_18 = arith.constant 0 : i32
      %dma_start3A_19 = arith.constant 0 : i32
      %dma_start3A_20 = tpu.memref_slice %arg3[%add3A, %dma_start3A_18, %dma_start3A_19] : memref<32x80x128xf32, #tpu.memory_space<hbm>> -> memref<1x80x128xf32, #tpu.memory_space<hbm>>
      %dma_start3A_21 = tpu.memref_squeeze %dma_start3A_20 : memref<1x80x128xf32, #tpu.memory_space<hbm>> -> memref<80x128xf32, #tpu.memory_space<hbm>>
      tpu.enqueue_dma source(%arg5 : memref<80x128xf32, #tpu.memory_space<vmem>>) target(%dma_start3A_21 : memref<80x128xf32, #tpu.memory_space<hbm>>) target_semaphore(%run_scoped3A : memref<!tpu.dma_semaphore, #tpu.memory_space<semaphore_mem>>)
      %dma_wait3A = arith.constant 0 : i32
      %dma_wait3A_22 = arith.constant 0 : i32
      %dma_wait3A_23 = tpu.memref_slice %arg3[%add3A, %dma_wait3A, %dma_wait3A_22] : memref<32x80x128xf32, #tpu.memory_space<hbm>> -> memref<1x80x128xf32, #tpu.memory_space<hbm>>
      %dma_wait3A_24 = tpu.memref_squeeze %dma_wait3A_23 : memref<1x80x128xf32, #tpu.memory_space<hbm>> -> memref<80x128xf32, #tpu.memory_space<hbm>>
      %dma_wait3A_25 = arith.constant 0 : i32
      %dma_wait3A_26 = arith.constant 0 : i32
      %dma_wait3A_27 = tpu.memref_slice %arg3[%add3A, %dma_wait3A_25, %dma_wait3A_26] : memref<32x80x128xf32, #tpu.memory_space<hbm>> -> memref<1x80x128xf32, #tpu.memory_space<hbm>>
      %dma_wait3A_28 = tpu.memref_squeeze %dma_wait3A_27 : memref<1x80x128xf32, #tpu.memory_space<hbm>> -> memref<80x128xf32, #tpu.memory_space<hbm>>
      tpu.wait_dma2 semaphore(%run_scoped3A : memref<!tpu.dma_semaphore, #tpu.memory_space<semaphore_mem>>) src(%arg5 : memref<80x128xf32, #tpu.memory_space<vmem>>) dst(%dma_wait3A_28 : memref<80x128xf32, #tpu.memory_space<hbm>>)
      tpu.yield
    }) : () -> ()
    return
  }
}

#map = affine_map<(d0, d1) -> (0, 0)>
#map1 = affine_map<(d0, d1) -> (0, 0, 0, 0)>
#map2 = affine_map<(d0, d1) -> (0, 0, 0)>
module attributes {stable_mosaic.version = 14 : i64} {
  func.func @_scatter_body(%arg0: i32, %arg1: i32, %arg2: memref<10240x128xf32, #tpu.memory_space<hbm>>, %arg3: memref<32x80x2x128xi32, #tpu.memory_space<hbm>>, %arg4: memref<2x10240x128xf32, #tpu.memory_space<hbm>>, %arg5: memref<4x2x128xi32, #tpu.memory_space<vmem>>, %arg6: memref<2x128x128xf32, #tpu.memory_space<vmem>>, %arg7: memref<4x!tpu.dma_semaphore, #tpu.memory_space<semaphore_mem>>, %arg8: memref<2x!tpu.dma_semaphore, #tpu.memory_space<semaphore_mem>>, %arg9: memref<10240x128xf32, #tpu.memory_space<vmem_shared>>) attributes {dimension_semantics = [#tpu.dimension_semantics<core_parallel>, #tpu.dimension_semantics<subcore_parallel>], iteration_bounds = array<i64: 2, 16>, scalar_prefetch = 0 : i64, scratch_operands = 5 : i64, tpu.core_type = #tpu.core_type<sc_vector_subcore>, window_params = [{transform_indices = #map}, {transform_indices = #map1}, {transform_indices = #map2}]} {
    %mul3A = arith.constant 2 : i32
    %mul3A_0 = arith.muli %arg1, %mul3A : i32
    %add3A = arith.addi %mul3A_0, %arg0 : i32
    %scan3A = arith.constant 0 : i32
    %scan3A_1 = arith.constant 0 : i32
    %scan3A_2 = arith.constant 512 : i32
    %scan3A_3 = arith.addi %scan3A_1, %scan3A_2 : i32
    %scan3A_4 = arith.constant 1 : i32
    %scan3A_5 = scf.for %scan3A_143 = %scan3A_1 to %scan3A_3 step %scan3A_4 iter_args(%scan3A_144 = %scan3A) -> (i32)  : i32 {
      %broadcast_in_dim3A = arith.constant 0.000000e+00 : f32
      %broadcast_in_dim3A_145 = vector.broadcast %broadcast_in_dim3A : f32 to vector<16xf32>
      %jit3A = arith.constant 8 : i32
      %div3A = arith.divsi %scan3A_143, %jit3A : i32
      %sign3A = arith.constant 0 : i32
      %sign3A_146 = arith.cmpi sgt, %scan3A_143, %sign3A : i32
      %sign3A_147 = arith.extui %sign3A_146 : i1 to i32
      %sign3A_148 = arith.constant 0 : i32
      %sign3A_149 = arith.cmpi slt, %scan3A_143, %sign3A_148 : i32
      %sign3A_150 = arith.extui %sign3A_149 : i1 to i32
      %sign3A_151 = arith.subi %sign3A_147, %sign3A_150 : i32
      %sign3A_152 = arith.constant 0 : i32
      %sign3A_153 = arith.cmpi sgt, %jit3A, %sign3A_152 : i32
      %sign3A_154 = arith.extui %sign3A_153 : i1 to i32
      %sign3A_155 = arith.constant 0 : i32
      %sign3A_156 = arith.cmpi slt, %jit3A, %sign3A_155 : i32
      %sign3A_157 = arith.extui %sign3A_156 : i1 to i32
      %sign3A_158 = arith.subi %sign3A_154, %sign3A_157 : i32
      %ne3A = arith.cmpi ne, %sign3A_151, %sign3A_158 : i32
      %rem3A = arith.remsi %scan3A_143, %jit3A : i32
      %ne3A_159 = arith.constant 0 : i32
      %ne3A_160 = arith.cmpi ne, %rem3A, %ne3A_159 : i32
      %and3A = arith.andi %ne3A, %ne3A_160 : i1
      %sub3A = arith.constant 1 : i32
      %sub3A_161 = arith.subi %div3A, %sub3A : i32
      %select_n3A = arith.select %and3A, %sub3A_161, %div3A : i32
      %jit3A_162 = arith.constant 8 : i32
      %eq3A = arith.constant 0 : i32
      %eq3A_163 = arith.cmpi eq, %jit3A_162, %eq3A : i32
      %jit3A_164 = arith.constant 1 : i32
      %select_n3A_165 = arith.select %eq3A_163, %jit3A_164, %jit3A_162 : i32
      %rem3A_166 = arith.remsi %scan3A_143, %select_n3A_165 : i32
      %ne3A_167 = arith.constant 0 : i32
      %ne3A_168 = arith.cmpi ne, %rem3A_166, %ne3A_167 : i32
      %lt3A = arith.constant 0 : i32
      %lt3A_169 = arith.cmpi slt, %rem3A_166, %lt3A : i32
      %lt3A_170 = arith.constant 0 : i32
      %lt3A_171 = arith.cmpi slt, %select_n3A_165, %lt3A_170 : i32
      %ne3A_172 = arith.xori %lt3A_169, %lt3A_171 : i1
      %and3A_173 = arith.andi %ne3A_172, %ne3A_168 : i1
      %add3A_174 = arith.addi %rem3A_166, %select_n3A_165 : i32
      %select_n3A_175 = arith.select %and3A_173, %add3A_174, %rem3A_166 : i32
      %mul3A_176 = arith.constant 16 : i32
      %mul3A_177 = arith.muli %select_n3A_175, %mul3A_176 : i32
      %swap3A = arith.constant 0 : i32
      %swap3A_178 = arith.index_cast %swap3A : i32 to index
      %swap3A_179 = arith.index_cast %select_n3A : i32 to index
      %swap3A_180 = arith.index_cast %mul3A_177 : i32 to index
      %swap3A_181 = tpu.vector_load %arg6[%swap3A_178, %swap3A_179, %swap3A_180] {strides = array<i32>} : memref<2x128x128xf32, #tpu.memory_space<vmem>>, vector<16xf32>,
      tpu.vector_store %arg6[%swap3A_178, %swap3A_179, %swap3A_180], %broadcast_in_dim3A_145 {strides = array<i32>} : memref<2x128x128xf32, #tpu.memory_space<vmem>>, vector<16xf32>,
      %scan3A_182 = arith.constant 0 : i32
      scf.yield %scan3A_182 : i32
    }
    %scan3A_6 = arith.constant 512 : i32
    %mul3A_7 = arith.constant 640 : i32
    %mul3A_8 = arith.muli %arg1, %mul3A_7 : i32
    %scan3A_9 = arith.constant 0 : i32
    %scan3A_10 = arith.constant 0 : i32
    %scan3A_11 = arith.constant 10 : i32
    %scan3A_12 = arith.addi %scan3A_10, %scan3A_11 : i32
    %scan3A_13 = arith.constant 1 : i32
    %scan3A_14 = scf.for %scan3A_143 = %scan3A_10 to %scan3A_12 step %scan3A_13 iter_args(%scan3A_144 = %scan3A_9) -> (i32)  : i32 {
      %mul3A_145 = arith.constant 64 : i32
      %mul3A_146 = arith.muli %scan3A_143, %mul3A_145 : i32
      %add3A_147 = arith.addi %mul3A_8, %mul3A_146 : i32
      %run_scoped3A = arith.constant 0 : i32
      "tpu.region"() ({
        %run_scoped3A_149 = tpu.sem_alloc : memref<!tpu.dma_semaphore, #tpu.memory_space<semaphore_mem>>
        %dma_start3A_150 = arith.constant 0 : i32
        %dma_start3A_151 = arith.constant 0 : i32
        %dma_start3A_152 = tpu.memref_slice %arg6[%run_scoped3A, %dma_start3A_150, %dma_start3A_151] : memref<2x128x128xf32, #tpu.memory_space<vmem>> -> memref<1x64x128xf32, #tpu.memory_space<vmem>>
        %dma_start3A_153 = tpu.memref_squeeze %dma_start3A_152 : memref<1x64x128xf32, #tpu.memory_space<vmem>> -> memref<64x128xf32, #tpu.memory_space<vmem>>
        %dma_start3A_154 = arith.constant 0 : i32
        %dma_start3A_155 = tpu.memref_slice %arg9[%add3A_147, %dma_start3A_154] : memref<10240x128xf32, #tpu.memory_space<vmem_shared>> -> memref<64x128xf32, #tpu.memory_space<vmem_shared>>
        %dma_start3A_156 = arith.constant 0 : i32
        %dma_start3A_157 = tpu.memref_slice %arg9[%add3A_147, %dma_start3A_156] : memref<10240x128xf32, #tpu.memory_space<vmem_shared>> -> memref<64x128xf32, #tpu.memory_space<vmem_shared>>
        %dma_start3A_158 = arith.constant 0 : i32
        %dma_start3A_159 = arith.constant 0 : i32
        %dma_start3A_160 = tpu.memref_slice %arg6[%run_scoped3A, %dma_start3A_158, %dma_start3A_159] : memref<2x128x128xf32, #tpu.memory_space<vmem>> -> memref<1x64x128xf32, #tpu.memory_space<vmem>>
        %dma_start3A_161 = tpu.memref_squeeze %dma_start3A_160 : memref<1x64x128xf32, #tpu.memory_space<vmem>> -> memref<64x128xf32, #tpu.memory_space<vmem>>
        tpu.enqueue_dma source(%dma_start3A_161 : memref<64x128xf32, #tpu.memory_space<vmem>>) target(%dma_start3A_157 : memref<64x128xf32, #tpu.memory_space<vmem_shared>>) target_semaphore(%run_scoped3A_149 : memref<!tpu.dma_semaphore, #tpu.memory_space<semaphore_mem>>)
        %dma_wait3A_162 = arith.constant 0 : i32
        %dma_wait3A_163 = arith.constant 0 : i32
        %dma_wait3A_164 = tpu.memref_slice %arg6[%run_scoped3A, %dma_wait3A_162, %dma_wait3A_163] : memref<2x128x128xf32, #tpu.memory_space<vmem>> -> memref<1x64x128xf32, #tpu.memory_space<vmem>>
        %dma_wait3A_165 = tpu.memref_squeeze %dma_wait3A_164 : memref<1x64x128xf32, #tpu.memory_space<vmem>> -> memref<64x128xf32, #tpu.memory_space<vmem>>
        %dma_wait3A_166 = arith.constant 0 : i32
        %dma_wait3A_167 = tpu.memref_slice %arg9[%add3A_147, %dma_wait3A_166] : memref<10240x128xf32, #tpu.memory_space<vmem_shared>> -> memref<64x128xf32, #tpu.memory_space<vmem_shared>>
        %dma_wait3A_168 = arith.constant 0 : i32
        %dma_wait3A_169 = tpu.memref_slice %arg9[%add3A_147, %dma_wait3A_168] : memref<10240x128xf32, #tpu.memory_space<vmem_shared>> -> memref<64x128xf32, #tpu.memory_space<vmem_shared>>
        %dma_wait3A_170 = arith.constant 0 : i32
        %dma_wait3A_171 = arith.constant 0 : i32
        %dma_wait3A_172 = tpu.memref_slice %arg6[%run_scoped3A, %dma_wait3A_170, %dma_wait3A_171] : memref<2x128x128xf32, #tpu.memory_space<vmem>> -> memref<1x64x128xf32, #tpu.memory_space<vmem>>
        %dma_wait3A_173 = tpu.memref_squeeze %dma_wait3A_172 : memref<1x64x128xf32, #tpu.memory_space<vmem>> -> memref<64x128xf32, #tpu.memory_space<vmem>>
        tpu.wait_dma2 semaphore(%run_scoped3A_149 : memref<!tpu.dma_semaphore, #tpu.memory_space<semaphore_mem>>) src(%dma_wait3A_173 : memref<64x128xf32, #tpu.memory_space<vmem>>) dst(%dma_wait3A_169 : memref<64x128xf32, #tpu.memory_space<vmem_shared>>)
        tpu.yield
      }) : () -> ()
      %scan3A_148 = arith.constant 0 : i32
      scf.yield %scan3A_148 : i32
    }
    %scan3A_15 = arith.constant 10 : i32
    %barrier3A = arith.constant 0 : index
    tpu.barrier barrier_id(%barrier3A)
    %dma_start3A = arith.constant 0 : i32
    %dma_start3A_16 = arith.constant 0 : i32
    %dma_start3A_17 = arith.constant 0 : i32
    %dma_start3A_18 = arith.constant 0 : i32
    %dma_start3A_19 = arith.constant 0 : i32
    %dma_start3A_20 = tpu.memref_slice %arg5[%dma_start3A_16, %dma_start3A_18, %dma_start3A_19] : memref<4x2x128xi32, #tpu.memory_space<vmem>> -> memref<1x2x128xi32, #tpu.memory_space<vmem>>
    %dma_start3A_21 = tpu.memref_squeeze %dma_start3A_20 : memref<1x2x128xi32, #tpu.memory_space<vmem>> -> memref<2x128xi32, #tpu.memory_space<vmem>>
    %dma_start3A_22 = arith.constant 0 : i32
    %dma_start3A_23 = arith.constant 0 : i32
    %dma_start3A_24 = tpu.memref_slice %arg3[%add3A, %dma_start3A, %dma_start3A_22, %dma_start3A_23] : memref<32x80x2x128xi32, #tpu.memory_space<hbm>> -> memref<1x1x2x128xi32, #tpu.memory_space<hbm>>
    %dma_start3A_25 = tpu.memref_squeeze %dma_start3A_24 : memref<1x1x2x128xi32, #tpu.memory_space<hbm>> -> memref<2x128xi32, #tpu.memory_space<hbm>>
    %dma_start3A_26 = tpu.memref_slice %arg7[%dma_start3A_17] : memref<4x!tpu.dma_semaphore, #tpu.memory_space<semaphore_mem>> -> memref<1x!tpu.dma_semaphore, #tpu.memory_space<semaphore_mem>>
    %dma_start3A_27 = tpu.memref_squeeze %dma_start3A_26 : memref<1x!tpu.dma_semaphore, #tpu.memory_space<semaphore_mem>> -> memref<!tpu.dma_semaphore, #tpu.memory_space<semaphore_mem>>
    %dma_start3A_28 = arith.constant 0 : i32
    %dma_start3A_29 = arith.constant 0 : i32
    %dma_start3A_30 = tpu.memref_slice %arg5[%dma_start3A_16, %dma_start3A_28, %dma_start3A_29] : memref<4x2x128xi32, #tpu.memory_space<vmem>> -> memref<1x2x128xi32, #tpu.memory_space<vmem>>
    %dma_start3A_31 = tpu.memref_squeeze %dma_start3A_30 : memref<1x2x128xi32, #tpu.memory_space<vmem>> -> memref<2x128xi32, #tpu.memory_space<vmem>>
    %dma_start3A_32 = arith.constant 0 : i32
    %dma_start3A_33 = arith.constant 0 : i32
    %dma_start3A_34 = tpu.memref_slice %arg3[%add3A, %dma_start3A, %dma_start3A_32, %dma_start3A_33] : memref<32x80x2x128xi32, #tpu.memory_space<hbm>> -> memref<1x1x2x128xi32, #tpu.memory_space<hbm>>
    %dma_start3A_35 = tpu.memref_squeeze %dma_start3A_34 : memref<1x1x2x128xi32, #tpu.memory_space<hbm>> -> memref<2x128xi32, #tpu.memory_space<hbm>>
    tpu.enqueue_dma source(%dma_start3A_35 : memref<2x128xi32, #tpu.memory_space<hbm>>) target(%dma_start3A_31 : memref<2x128xi32, #tpu.memory_space<vmem>>) target_semaphore(%dma_start3A_27 : memref<!tpu.dma_semaphore, #tpu.memory_space<semaphore_mem>>)
    %dma_start3A_36 = arith.constant 1 : i32
    %dma_start3A_37 = arith.constant 1 : i32
    %dma_start3A_38 = arith.constant 1 : i32
    %dma_start3A_39 = arith.constant 0 : i32
    %dma_start3A_40 = arith.constant 0 : i32
    %dma_start3A_41 = tpu.memref_slice %arg5[%dma_start3A_37, %dma_start3A_39, %dma_start3A_40] : memref<4x2x128xi32, #tpu.memory_space<vmem>> -> memref<1x2x128xi32, #tpu.memory_space<vmem>>
    %dma_start3A_42 = tpu.memref_squeeze %dma_start3A_41 : memref<1x2x128xi32, #tpu.memory_space<vmem>> -> memref<2x128xi32, #tpu.memory_space<vmem>>
    %dma_start3A_43 = arith.constant 0 : i32
    %dma_start3A_44 = arith.constant 0 : i32
    %dma_start3A_45 = tpu.memref_slice %arg3[%add3A, %dma_start3A_36, %dma_start3A_43, %dma_start3A_44] : memref<32x80x2x128xi32, #tpu.memory_space<hbm>> -> memref<1x1x2x128xi32, #tpu.memory_space<hbm>>
    %dma_start3A_46 = tpu.memref_squeeze %dma_start3A_45 : memref<1x1x2x128xi32, #tpu.memory_space<hbm>> -> memref<2x128xi32, #tpu.memory_space<hbm>>
    %dma_start3A_47 = tpu.memref_slice %arg7[%dma_start3A_38] : memref<4x!tpu.dma_semaphore, #tpu.memory_space<semaphore_mem>> -> memref<1x!tpu.dma_semaphore, #tpu.memory_space<semaphore_mem>>
    %dma_start3A_48 = tpu.memref_squeeze %dma_start3A_47 : memref<1x!tpu.dma_semaphore, #tpu.memory_space<semaphore_mem>> -> memref<!tpu.dma_semaphore, #tpu.memory_space<semaphore_mem>>
    %dma_start3A_49 = arith.constant 0 : i32
    %dma_start3A_50 = arith.constant 0 : i32
    %dma_start3A_51 = tpu.memref_slice %arg5[%dma_start3A_37, %dma_start3A_49, %dma_start3A_50] : memref<4x2x128xi32, #tpu.memory_space<vmem>> -> memref<1x2x128xi32, #tpu.memory_space<vmem>>
    %dma_start3A_52 = tpu.memref_squeeze %dma_start3A_51 : memref<1x2x128xi32, #tpu.memory_space<vmem>> -> memref<2x128xi32, #tpu.memory_space<vmem>>
    %dma_start3A_53 = arith.constant 0 : i32
    %dma_start3A_54 = arith.constant 0 : i32
    %dma_start3A_55 = tpu.memref_slice %arg3[%add3A, %dma_start3A_36, %dma_start3A_53, %dma_start3A_54] : memref<32x80x2x128xi32, #tpu.memory_space<hbm>> -> memref<1x1x2x128xi32, #tpu.memory_space<hbm>>
    %dma_start3A_56 = tpu.memref_squeeze %dma_start3A_55 : memref<1x1x2x128xi32, #tpu.memory_space<hbm>> -> memref<2x128xi32, #tpu.memory_space<hbm>>
    tpu.enqueue_dma source(%dma_start3A_56 : memref<2x128xi32, #tpu.memory_space<hbm>>) target(%dma_start3A_52 : memref<2x128xi32, #tpu.memory_space<vmem>>) target_semaphore(%dma_start3A_48 : memref<!tpu.dma_semaphore, #tpu.memory_space<semaphore_mem>>)
    %dma_start3A_57 = arith.constant 2 : i32
    %dma_start3A_58 = arith.constant 2 : i32
    %dma_start3A_59 = arith.constant 2 : i32
    %dma_start3A_60 = arith.constant 0 : i32
    %dma_start3A_61 = arith.constant 0 : i32
    %dma_start3A_62 = tpu.memref_slice %arg5[%dma_start3A_58, %dma_start3A_60, %dma_start3A_61] : memref<4x2x128xi32, #tpu.memory_space<vmem>> -> memref<1x2x128xi32, #tpu.memory_space<vmem>>
    %dma_start3A_63 = tpu.memref_squeeze %dma_start3A_62 : memref<1x2x128xi32, #tpu.memory_space<vmem>> -> memref<2x128xi32, #tpu.memory_space<vmem>>
    %dma_start3A_64 = arith.constant 0 : i32
    %dma_start3A_65 = arith.constant 0 : i32
    %dma_start3A_66 = tpu.memref_slice %arg3[%add3A, %dma_start3A_57, %dma_start3A_64, %dma_start3A_65] : memref<32x80x2x128xi32, #tpu.memory_space<hbm>> -> memref<1x1x2x128xi32, #tpu.memory_space<hbm>>
    %dma_start3A_67 = tpu.memref_squeeze %dma_start3A_66 : memref<1x1x2x128xi32, #tpu.memory_space<hbm>> -> memref<2x128xi32, #tpu.memory_space<hbm>>
    %dma_start3A_68 = tpu.memref_slice %arg7[%dma_start3A_59] : memref<4x!tpu.dma_semaphore, #tpu.memory_space<semaphore_mem>> -> memref<1x!tpu.dma_semaphore, #tpu.memory_space<semaphore_mem>>
    %dma_start3A_69 = tpu.memref_squeeze %dma_start3A_68 : memref<1x!tpu.dma_semaphore, #tpu.memory_space<semaphore_mem>> -> memref<!tpu.dma_semaphore, #tpu.memory_space<semaphore_mem>>
    %dma_start3A_70 = arith.constant 0 : i32
    %dma_start3A_71 = arith.constant 0 : i32
    %dma_start3A_72 = tpu.memref_slice %arg5[%dma_start3A_58, %dma_start3A_70, %dma_start3A_71] : memref<4x2x128xi32, #tpu.memory_space<vmem>> -> memref<1x2x128xi32, #tpu.memory_space<vmem>>
    %dma_start3A_73 = tpu.memref_squeeze %dma_start3A_72 : memref<1x2x128xi32, #tpu.memory_space<vmem>> -> memref<2x128xi32, #tpu.memory_space<vmem>>
    %dma_start3A_74 = arith.constant 0 : i32
    %dma_start3A_75 = arith.constant 0 : i32
    %dma_start3A_76 = tpu.memref_slice %arg3[%add3A, %dma_start3A_57, %dma_start3A_74, %dma_start3A_75] : memref<32x80x2x128xi32, #tpu.memory_space<hbm>> -> memref<1x1x2x128xi32, #tpu.memory_space<hbm>>
    %dma_start3A_77 = tpu.memref_squeeze %dma_start3A_76 : memref<1x1x2x128xi32, #tpu.memory_space<hbm>> -> memref<2x128xi32, #tpu.memory_space<hbm>>
    tpu.enqueue_dma source(%dma_start3A_77 : memref<2x128xi32, #tpu.memory_space<hbm>>) target(%dma_start3A_73 : memref<2x128xi32, #tpu.memory_space<vmem>>) target_semaphore(%dma_start3A_69 : memref<!tpu.dma_semaphore, #tpu.memory_space<semaphore_mem>>)
    %dma_start3A_78 = arith.constant 3 : i32
    %dma_start3A_79 = arith.constant 3 : i32
    %dma_start3A_80 = arith.constant 3 : i32
    %dma_start3A_81 = arith.constant 0 : i32
    %dma_start3A_82 = arith.constant 0 : i32
    %dma_start3A_83 = tpu.memref_slice %arg5[%dma_start3A_79, %dma_start3A_81, %dma_start3A_82] : memref<4x2x128xi32, #tpu.memory_space<vmem>> -> memref<1x2x128xi32, #tpu.memory_space<vmem>>
    %dma_start3A_84 = tpu.memref_squeeze %dma_start3A_83 : memref<1x2x128xi32, #tpu.memory_space<vmem>> -> memref<2x128xi32, #tpu.memory_space<vmem>>
    %dma_start3A_85 = arith.constant 0 : i32
    %dma_start3A_86 = arith.constant 0 : i32
    %dma_start3A_87 = tpu.memref_slice %arg3[%add3A, %dma_start3A_78, %dma_start3A_85, %dma_start3A_86] : memref<32x80x2x128xi32, #tpu.memory_space<hbm>> -> memref<1x1x2x128xi32, #tpu.memory_space<hbm>>
    %dma_start3A_88 = tpu.memref_squeeze %dma_start3A_87 : memref<1x1x2x128xi32, #tpu.memory_space<hbm>> -> memref<2x128xi32, #tpu.memory_space<hbm>>
    %dma_start3A_89 = tpu.memref_slice %arg7[%dma_start3A_80] : memref<4x!tpu.dma_semaphore, #tpu.memory_space<semaphore_mem>> -> memref<1x!tpu.dma_semaphore, #tpu.memory_space<semaphore_mem>>
    %dma_start3A_90 = tpu.memref_squeeze %dma_start3A_89 : memref<1x!tpu.dma_semaphore, #tpu.memory_space<semaphore_mem>> -> memref<!tpu.dma_semaphore, #tpu.memory_space<semaphore_mem>>
    %dma_start3A_91 = arith.constant 0 : i32
    %dma_start3A_92 = arith.constant 0 : i32
    %dma_start3A_93 = tpu.memref_slice %arg5[%dma_start3A_79, %dma_start3A_91, %dma_start3A_92] : memref<4x2x128xi32, #tpu.memory_space<vmem>> -> memref<1x2x128xi32, #tpu.memory_space<vmem>>
    %dma_start3A_94 = tpu.memref_squeeze %dma_start3A_93 : memref<1x2x128xi32, #tpu.memory_space<vmem>> -> memref<2x128xi32, #tpu.memory_space<vmem>>
    %dma_start3A_95 = arith.constant 0 : i32
    %dma_start3A_96 = arith.constant 0 : i32
    %dma_start3A_97 = tpu.memref_slice %arg3[%add3A, %dma_start3A_78, %dma_start3A_95, %dma_start3A_96] : memref<32x80x2x128xi32, #tpu.memory_space<hbm>> -> memref<1x1x2x128xi32, #tpu.memory_space<hbm>>
    %dma_start3A_98 = tpu.memref_squeeze %dma_start3A_97 : memref<1x1x2x128xi32, #tpu.memory_space<hbm>> -> memref<2x128xi32, #tpu.memory_space<hbm>>
    tpu.enqueue_dma source(%dma_start3A_98 : memref<2x128xi32, #tpu.memory_space<hbm>>) target(%dma_start3A_94 : memref<2x128xi32, #tpu.memory_space<vmem>>) target_semaphore(%dma_start3A_90 : memref<!tpu.dma_semaphore, #tpu.memory_space<semaphore_mem>>)
    %dma_wait3A = arith.constant 0 : i32
    %dma_wait3A_99 = arith.constant 0 : i32
    %dma_wait3A_100 = arith.constant 0 : i32
    %dma_wait3A_101 = arith.constant 0 : i32
    %dma_wait3A_102 = arith.constant 0 : i32
    %dma_wait3A_103 = tpu.memref_slice %arg5[%dma_wait3A_99, %dma_wait3A_101, %dma_wait3A_102] : memref<4x2x128xi32, #tpu.memory_space<vmem>> -> memref<1x2x128xi32, #tpu.memory_space<vmem>>
    %dma_wait3A_104 = tpu.memref_squeeze %dma_wait3A_103 : memref<1x2x128xi32, #tpu.memory_space<vmem>> -> memref<2x128xi32, #tpu.memory_space<vmem>>
    %dma_wait3A_105 = arith.constant 0 : i32
    %dma_wait3A_106 = arith.constant 0 : i32
    %dma_wait3A_107 = tpu.memref_slice %arg3[%add3A, %dma_wait3A, %dma_wait3A_105, %dma_wait3A_106] : memref<32x80x2x128xi32, #tpu.memory_space<hbm>> -> memref<1x1x2x128xi32, #tpu.memory_space<hbm>>
    %dma_wait3A_108 = tpu.memref_squeeze %dma_wait3A_107 : memref<1x1x2x128xi32, #tpu.memory_space<hbm>> -> memref<2x128xi32, #tpu.memory_space<hbm>>
    %dma_wait3A_109 = tpu.memref_slice %arg7[%dma_wait3A_100] : memref<4x!tpu.dma_semaphore, #tpu.memory_space<semaphore_mem>> -> memref<1x!tpu.dma_semaphore, #tpu.memory_space<semaphore_mem>>
    %dma_wait3A_110 = tpu.memref_squeeze %dma_wait3A_109 : memref<1x!tpu.dma_semaphore, #tpu.memory_space<semaphore_mem>> -> memref<!tpu.dma_semaphore, #tpu.memory_space<semaphore_mem>>
    %dma_wait3A_111 = arith.constant 0 : i32
    %dma_wait3A_112 = arith.constant 0 : i32
    %dma_wait3A_113 = tpu.memref_slice %arg5[%dma_wait3A_99, %dma_wait3A_111, %dma_wait3A_112] : memref<4x2x128xi32, #tpu.memory_space<vmem>> -> memref<1x2x128xi32, #tpu.memory_space<vmem>>
    %dma_wait3A_114 = tpu.memref_squeeze %dma_wait3A_113 : memref<1x2x128xi32, #tpu.memory_space<vmem>> -> memref<2x128xi32, #tpu.memory_space<vmem>>
    %dma_wait3A_115 = arith.constant 0 : i32
    %dma_wait3A_116 = arith.constant 0 : i32
    %dma_wait3A_117 = tpu.memref_slice %arg3[%add3A, %dma_wait3A, %dma_wait3A_115, %dma_wait3A_116] : memref<32x80x2x128xi32, #tpu.memory_space<hbm>> -> memref<1x1x2x128xi32, #tpu.memory_space<hbm>>
    %dma_wait3A_118 = tpu.memref_squeeze %dma_wait3A_117 : memref<1x1x2x128xi32, #tpu.memory_space<hbm>> -> memref<2x128xi32, #tpu.memory_space<hbm>>
    tpu.wait_dma2 semaphore(%dma_wait3A_110 : memref<!tpu.dma_semaphore, #tpu.memory_space<semaphore_mem>>) src(%dma_wait3A_118 : memref<2x128xi32, #tpu.memory_space<hbm>>) dst(%dma_wait3A_114 : memref<2x128xi32, #tpu.memory_space<vmem>>)
    %dma_start3A_119 = arith.constant 0 : i32
    %dma_start3A_120 = arith.constant 0 : i32
    %dma_start3A_121 = arith.constant 0 : i32
    %dma_start3A_122 = arith.constant 0 : i32
    %dma_start3A_123 = arith.constant 0 : i32
    %dma_start3A_124 = arith.constant 0 : i32
    %dma_start3A_125 = tpu.memref_slice %arg6[%dma_start3A_121, %dma_start3A_123, %dma_start3A_124] : memref<2x128x128xf32, #tpu.memory_space<vmem>> -> memref<1x128x128xf32, #tpu.memory_space<vmem>>
    %dma_start3A_126 = tpu.memref_squeeze %dma_start3A_125 : memref<1x128x128xf32, #tpu.memory_space<vmem>> -> memref<128x128xf32, #tpu.memory_space<vmem>>
    %dma_start3A_127 = arith.constant 0 : i32
    %dma_start3A_128 = tpu.memref_slice %arg5[%dma_start3A_119, %dma_start3A_120, %dma_start3A_127] : memref<4x2x128xi32, #tpu.memory_space<vmem>> -> memref<1x1x128xi32, #tpu.memory_space<vmem>>
    %dma_start3A_129 = tpu.memref_squeeze %dma_start3A_128 : memref<1x1x128xi32, #tpu.memory_space<vmem>> -> memref<128xi32, #tpu.memory_space<vmem>>
    %dma_start3A_130 = arith.constant 0 : i32
    %dma_start3A_131 = arith.constant 0 : i32
    %dma_start3A_132 = tpu.memref_slice %arg2[%dma_start3A_130, %dma_start3A_131] : memref<10240x128xf32, #tpu.memory_space<hbm>> -> memref<10240x128xf32, #tpu.memory_space<hbm>>
    %dma_start3A_133 = tpu.memref_slice %arg8[%dma_start3A_122] : memref<2x!tpu.dma_semaphore, #tpu.memory_space<semaphore_mem>> -> memref<1x!tpu.dma_semaphore, #tpu.memory_space<semaphore_mem>>
    %dma_start3A_134 = tpu.memref_squeeze %dma_start3A_133 : memref<1x!tpu.dma_semaphore, #tpu.memory_space<semaphore_mem>> -> memref<!tpu.dma_semaphore, #tpu.memory_space<semaphore_mem>>
    tpu.enqueue_indirect_dma source(%dma_start3A_132 : memref<10240x128xf32, #tpu.memory_space<hbm>>) target(%dma_start3A_126 : memref<128x128xf32, #tpu.memory_space<vmem>>) offsets(%dma_start3A_129 : memref<128xi32, #tpu.memory_space<vmem>>) semaphore(%dma_start3A_134 : memref<!tpu.dma_semaphore, #tpu.memory_space<semaphore_mem>>)
    %scan3A_135 = arith.constant 0 : i32
    %scan3A_136 = arith.constant 0 : i32
    %scan3A_137 = arith.constant 20 : i32
    %scan3A_138 = arith.addi %scan3A_136, %scan3A_137 : i32
    %scan3A_139 = arith.constant 1 : i32
    %scan3A_140 = scf.for %scan3A_143 = %scan3A_136 to %scan3A_138 step %scan3A_139 iter_args(%scan3A_144 = %scan3A_135) -> (i32)  : i32 {
      %mul3A_145 = arith.constant 4 : i32
      %mul3A_146 = arith.muli %mul3A_145, %scan3A_143 : i32
      %add3A_147 = arith.constant 0 : i32
      %add3A_148 = arith.addi %mul3A_146, %add3A_147 : i32
      %add3A_149 = arith.constant 1 : i32
      %add3A_150 = arith.addi %add3A_148, %add3A_149 : i32
      %lt3A = arith.constant 80 : i32
      %lt3A_151 = arith.cmpi slt, %add3A_150, %lt3A : i32
      %convert_element_type3A = arith.extui %lt3A_151 : i1 to i32
      %cond3A = arith.constant 0 : i32
      %cond3A_152 = arith.cmpi ne, %convert_element_type3A, %cond3A : i32
      scf.if %cond3A_152 {
        %add3A_299 = arith.constant 1 : i32
        %add3A_300 = arith.addi %add3A_148, %add3A_299 : i32
        %dma_wait3A_301 = arith.constant 1 : i32
        %dma_wait3A_302 = arith.constant 1 : i32
        %dma_wait3A_303 = arith.constant 0 : i32
        %dma_wait3A_304 = arith.constant 0 : i32
        %dma_wait3A_305 = tpu.memref_slice %arg5[%dma_wait3A_301, %dma_wait3A_303, %dma_wait3A_304] : memref<4x2x128xi32, #tpu.memory_space<vmem>> -> memref<1x2x128xi32, #tpu.memory_space<vmem>>
        %dma_wait3A_306 = tpu.memref_squeeze %dma_wait3A_305 : memref<1x2x128xi32, #tpu.memory_space<vmem>> -> memref<2x128xi32, #tpu.memory_space<vmem>>
        %dma_wait3A_307 = arith.constant 0 : i32
        %dma_wait3A_308 = arith.constant 0 : i32
        %dma_wait3A_309 = tpu.memref_slice %arg3[%add3A, %add3A_300, %dma_wait3A_307, %dma_wait3A_308] : memref<32x80x2x128xi32, #tpu.memory_space<hbm>> -> memref<1x1x2x128xi32, #tpu.memory_space<hbm>>
        %dma_wait3A_310 = tpu.memref_squeeze %dma_wait3A_309 : memref<1x1x2x128xi32, #tpu.memory_space<hbm>> -> memref<2x128xi32, #tpu.memory_space<hbm>>
        %dma_wait3A_311 = tpu.memref_slice %arg7[%dma_wait3A_302] : memref<4x!tpu.dma_semaphore, #tpu.memory_space<semaphore_mem>> -> memref<1x!tpu.dma_semaphore, #tpu.memory_space<semaphore_mem>>
        %dma_wait3A_312 = tpu.memref_squeeze %dma_wait3A_311 : memref<1x!tpu.dma_semaphore, #tpu.memory_space<semaphore_mem>> -> memref<!tpu.dma_semaphore, #tpu.memory_space<semaphore_mem>>
        %dma_wait3A_313 = arith.constant 0 : i32
        %dma_wait3A_314 = arith.constant 0 : i32
        %dma_wait3A_315 = tpu.memref_slice %arg5[%dma_wait3A_301, %dma_wait3A_313, %dma_wait3A_314] : memref<4x2x128xi32, #tpu.memory_space<vmem>> -> memref<1x2x128xi32, #tpu.memory_space<vmem>>
        %dma_wait3A_316 = tpu.memref_squeeze %dma_wait3A_315 : memref<1x2x128xi32, #tpu.memory_space<vmem>> -> memref<2x128xi32, #tpu.memory_space<vmem>>
        %dma_wait3A_317 = arith.constant 0 : i32
        %dma_wait3A_318 = arith.constant 0 : i32
        %dma_wait3A_319 = tpu.memref_slice %arg3[%add3A, %add3A_300, %dma_wait3A_317, %dma_wait3A_318] : memref<32x80x2x128xi32, #tpu.memory_space<hbm>> -> memref<1x1x2x128xi32, #tpu.memory_space<hbm>>
        %dma_wait3A_320 = tpu.memref_squeeze %dma_wait3A_319 : memref<1x1x2x128xi32, #tpu.memory_space<hbm>> -> memref<2x128xi32, #tpu.memory_space<hbm>>
        tpu.wait_dma2 semaphore(%dma_wait3A_312 : memref<!tpu.dma_semaphore, #tpu.memory_space<semaphore_mem>>) src(%dma_wait3A_320 : memref<2x128xi32, #tpu.memory_space<hbm>>) dst(%dma_wait3A_316 : memref<2x128xi32, #tpu.memory_space<vmem>>)
        %add3A_321 = arith.constant 1 : i32
        %add3A_322 = arith.addi %add3A_148, %add3A_321 : i32
        %and3A_323 = arith.constant 3 : i32
        %and3A_324 = arith.andi %add3A_322, %and3A_323 : i32
        %and3A_325 = arith.constant 1 : i32
        %and3A_326 = arith.andi %add3A_322, %and3A_325 : i32
        %and3A_327 = arith.constant 1 : i32
        %and3A_328 = arith.andi %add3A_322, %and3A_327 : i32
        %dma_start3A_329 = arith.constant 0 : i32
        %dma_start3A_330 = arith.constant 0 : i32
        %dma_start3A_331 = arith.constant 0 : i32
        %dma_start3A_332 = tpu.memref_slice %arg6[%and3A_326, %dma_start3A_330, %dma_start3A_331] : memref<2x128x128xf32, #tpu.memory_space<vmem>> -> memref<1x128x128xf32, #tpu.memory_space<vmem>>
        %dma_start3A_333 = tpu.memref_squeeze %dma_start3A_332 : memref<1x128x128xf32, #tpu.memory_space<vmem>> -> memref<128x128xf32, #tpu.memory_space<vmem>>
        %dma_start3A_334 = arith.constant 0 : i32
        %dma_start3A_335 = tpu.memref_slice %arg5[%and3A_324, %dma_start3A_329, %dma_start3A_334] : memref<4x2x128xi32, #tpu.memory_space<vmem>> -> memref<1x1x128xi32, #tpu.memory_space<vmem>>
        %dma_start3A_336 = tpu.memref_squeeze %dma_start3A_335 : memref<1x1x128xi32, #tpu.memory_space<vmem>> -> memref<128xi32, #tpu.memory_space<vmem>>
        %dma_start3A_337 = arith.constant 0 : i32
        %dma_start3A_338 = arith.constant 0 : i32
        %dma_start3A_339 = tpu.memref_slice %arg2[%dma_start3A_337, %dma_start3A_338] : memref<10240x128xf32, #tpu.memory_space<hbm>> -> memref<10240x128xf32, #tpu.memory_space<hbm>>
        %dma_start3A_340 = tpu.memref_slice %arg8[%and3A_328] : memref<2x!tpu.dma_semaphore, #tpu.memory_space<semaphore_mem>> -> memref<1x!tpu.dma_semaphore, #tpu.memory_space<semaphore_mem>>
        %dma_start3A_341 = tpu.memref_squeeze %dma_start3A_340 : memref<1x!tpu.dma_semaphore, #tpu.memory_space<semaphore_mem>> -> memref<!tpu.dma_semaphore, #tpu.memory_space<semaphore_mem>>
        tpu.enqueue_indirect_dma source(%dma_start3A_339 : memref<10240x128xf32, #tpu.memory_space<hbm>>) target(%dma_start3A_333 : memref<128x128xf32, #tpu.memory_space<vmem>>) offsets(%dma_start3A_336 : memref<128xi32, #tpu.memory_space<vmem>>) semaphore(%dma_start3A_341 : memref<!tpu.dma_semaphore, #tpu.memory_space<semaphore_mem>>)
      } else {
      }
      %and3A = arith.constant 3 : i32
      %and3A_153 = arith.andi %add3A_148, %and3A : i32
      %and3A_154 = arith.constant 1 : i32
      %and3A_155 = arith.andi %add3A_148, %and3A_154 : i32
      %and3A_156 = arith.constant 1 : i32
      %and3A_157 = arith.andi %add3A_148, %and3A_156 : i32
      %dma_wait3A_158 = arith.constant 0 : i32
      %dma_wait3A_159 = arith.constant 0 : i32
      %dma_wait3A_160 = arith.constant 0 : i32
      %dma_wait3A_161 = tpu.memref_slice %arg6[%and3A_155, %dma_wait3A_159, %dma_wait3A_160] : memref<2x128x128xf32, #tpu.memory_space<vmem>> -> memref<1x128x128xf32, #tpu.memory_space<vmem>>
      %dma_wait3A_162 = tpu.memref_squeeze %dma_wait3A_161 : memref<1x128x128xf32, #tpu.memory_space<vmem>> -> memref<128x128xf32, #tpu.memory_space<vmem>>
      %dma_wait3A_163 = arith.constant 0 : i32
      %dma_wait3A_164 = tpu.memref_slice %arg5[%and3A_153, %dma_wait3A_158, %dma_wait3A_163] : memref<4x2x128xi32, #tpu.memory_space<vmem>> -> memref<1x1x128xi32, #tpu.memory_space<vmem>>
      %dma_wait3A_165 = tpu.memref_squeeze %dma_wait3A_164 : memref<1x1x128xi32, #tpu.memory_space<vmem>> -> memref<128xi32, #tpu.memory_space<vmem>>
      %dma_wait3A_166 = arith.constant 0 : i32
      %dma_wait3A_167 = arith.constant 0 : i32
      %dma_wait3A_168 = tpu.memref_slice %arg2[%dma_wait3A_166, %dma_wait3A_167] : memref<10240x128xf32, #tpu.memory_space<hbm>> -> memref<10240x128xf32, #tpu.memory_space<hbm>>
      %dma_wait3A_169 = tpu.memref_slice %arg8[%and3A_157] : memref<2x!tpu.dma_semaphore, #tpu.memory_space<semaphore_mem>> -> memref<1x!tpu.dma_semaphore, #tpu.memory_space<semaphore_mem>>
      %dma_wait3A_170 = tpu.memref_squeeze %dma_wait3A_169 : memref<1x!tpu.dma_semaphore, #tpu.memory_space<semaphore_mem>> -> memref<!tpu.dma_semaphore, #tpu.memory_space<semaphore_mem>>
      tpu.wait_indirect_dma semaphore(%dma_wait3A_170 : memref<!tpu.dma_semaphore, #tpu.memory_space<semaphore_mem>>) src(%dma_wait3A_168 : memref<10240x128xf32, #tpu.memory_space<hbm>>) dst(%dma_wait3A_162 : memref<128x128xf32, #tpu.memory_space<vmem>>)
      %and3A_171 = arith.constant 1 : i32
      %and3A_172 = arith.andi %add3A_148, %and3A_171 : i32
      %run_scoped3A = arith.constant 0 : i32
      %run_scoped3A_173 = arith.constant 1 : i32
      "tpu.region"() ({
        %run_scoped3A_299 = tpu.sem_alloc : memref<!tpu.dma_semaphore, #tpu.memory_space<semaphore_mem>>
        %dma_start3A_300 = arith.constant 0 : i32
        %dma_start3A_301 = arith.constant 0 : i32
        %dma_start3A_302 = tpu.memref_slice %arg6[%and3A_172, %dma_start3A_300, %dma_start3A_301] : memref<2x128x128xf32, #tpu.memory_space<vmem>> -> memref<1x128x128xf32, #tpu.memory_space<vmem>>
        %dma_start3A_303 = tpu.memref_squeeze %dma_start3A_302 : memref<1x128x128xf32, #tpu.memory_space<vmem>> -> memref<128x128xf32, #tpu.memory_space<vmem>>
        %dma_start3A_304 = arith.constant 0 : i32
        %dma_start3A_305 = tpu.memref_slice %arg5[%run_scoped3A, %run_scoped3A_173, %dma_start3A_304] : memref<4x2x128xi32, #tpu.memory_space<vmem>> -> memref<1x1x128xi32, #tpu.memory_space<vmem>>
        %dma_start3A_306 = tpu.memref_squeeze %dma_start3A_305 : memref<1x1x128xi32, #tpu.memory_space<vmem>> -> memref<128xi32, #tpu.memory_space<vmem>>
        %dma_start3A_307 = arith.constant 0 : i32
        %dma_start3A_308 = arith.constant 0 : i32
        %dma_start3A_309 = tpu.memref_slice %arg9[%dma_start3A_307, %dma_start3A_308] : memref<10240x128xf32, #tpu.memory_space<vmem_shared>> -> memref<10240x128xf32, #tpu.memory_space<vmem_shared>>
        tpu.enqueue_indirect_dma source(%dma_start3A_303 : memref<128x128xf32, #tpu.memory_space<vmem>>) target(%dma_start3A_309 : memref<10240x128xf32, #tpu.memory_space<vmem_shared>>) offsets(%dma_start3A_306 : memref<128xi32, #tpu.memory_space<vmem>>) semaphore(%run_scoped3A_299 : memref<!tpu.dma_semaphore, #tpu.memory_space<semaphore_mem>>) {add = true}
        %dma_wait3A_310 = arith.constant 0 : i32
        %dma_wait3A_311 = arith.constant 0 : i32
        %dma_wait3A_312 = tpu.memref_slice %arg6[%and3A_172, %dma_wait3A_310, %dma_wait3A_311] : memref<2x128x128xf32, #tpu.memory_space<vmem>> -> memref<1x128x128xf32, #tpu.memory_space<vmem>>
        %dma_wait3A_313 = tpu.memref_squeeze %dma_wait3A_312 : memref<1x128x128xf32, #tpu.memory_space<vmem>> -> memref<128x128xf32, #tpu.memory_space<vmem>>
        %dma_wait3A_314 = arith.constant 0 : i32
        %dma_wait3A_315 = tpu.memref_slice %arg5[%run_scoped3A, %run_scoped3A_173, %dma_wait3A_314] : memref<4x2x128xi32, #tpu.memory_space<vmem>> -> memref<1x1x128xi32, #tpu.memory_space<vmem>>
        %dma_wait3A_316 = tpu.memref_squeeze %dma_wait3A_315 : memref<1x1x128xi32, #tpu.memory_space<vmem>> -> memref<128xi32, #tpu.memory_space<vmem>>
        %dma_wait3A_317 = arith.constant 0 : i32
        %dma_wait3A_318 = arith.constant 0 : i32
        %dma_wait3A_319 = tpu.memref_slice %arg9[%dma_wait3A_317, %dma_wait3A_318] : memref<10240x128xf32, #tpu.memory_space<vmem_shared>> -> memref<10240x128xf32, #tpu.memory_space<vmem_shared>>
        tpu.wait_indirect_dma semaphore(%run_scoped3A_299 : memref<!tpu.dma_semaphore, #tpu.memory_space<semaphore_mem>>) src(%dma_wait3A_313 : memref<128x128xf32, #tpu.memory_space<vmem>>) dst(%dma_wait3A_319 : memref<10240x128xf32, #tpu.memory_space<vmem_shared>>)
        tpu.yield
      }) : () -> ()
      %add3A_174 = arith.constant 4 : i32
      %add3A_175 = arith.addi %add3A_148, %add3A_174 : i32
      %lt3A_176 = arith.constant 80 : i32
      %lt3A_177 = arith.cmpi slt, %add3A_175, %lt3A_176 : i32
      %convert_element_type3A_178 = arith.extui %lt3A_177 : i1 to i32
      %cond3A_179 = arith.constant 0 : i32
      %cond3A_180 = arith.cmpi ne, %convert_element_type3A_178, %cond3A_179 : i32
      scf.if %cond3A_180 {
        %add3A_299 = arith.constant 4 : i32
        %add3A_300 = arith.addi %add3A_148, %add3A_299 : i32
        %dma_start3A_301 = arith.constant 0 : i32
        %dma_start3A_302 = arith.constant 0 : i32
        %dma_start3A_303 = arith.constant 0 : i32
        %dma_start3A_304 = arith.constant 0 : i32
        %dma_start3A_305 = tpu.memref_slice %arg5[%dma_start3A_301, %dma_start3A_303, %dma_start3A_304] : memref<4x2x128xi32, #tpu.memory_space<vmem>> -> memref<1x2x128xi32, #tpu.memory_space<vmem>>
        %dma_start3A_306 = tpu.memref_squeeze %dma_start3A_305 : memref<1x2x128xi32, #tpu.memory_space<vmem>> -> memref<2x128xi32, #tpu.memory_space<vmem>>
        %dma_start3A_307 = arith.constant 0 : i32
        %dma_start3A_308 = arith.constant 0 : i32
        %dma_start3A_309 = tpu.memref_slice %arg3[%add3A, %add3A_300, %dma_start3A_307, %dma_start3A_308] : memref<32x80x2x128xi32, #tpu.memory_space<hbm>> -> memref<1x1x2x128xi32, #tpu.memory_space<hbm>>
        %dma_start3A_310 = tpu.memref_squeeze %dma_start3A_309 : memref<1x1x2x128xi32, #tpu.memory_space<hbm>> -> memref<2x128xi32, #tpu.memory_space<hbm>>
        %dma_start3A_311 = tpu.memref_slice %arg7[%dma_start3A_302] : memref<4x!tpu.dma_semaphore, #tpu.memory_space<semaphore_mem>> -> memref<1x!tpu.dma_semaphore, #tpu.memory_space<semaphore_mem>>
        %dma_start3A_312 = tpu.memref_squeeze %dma_start3A_311 : memref<1x!tpu.dma_semaphore, #tpu.memory_space<semaphore_mem>> -> memref<!tpu.dma_semaphore, #tpu.memory_space<semaphore_mem>>
        %dma_start3A_313 = arith.constant 0 : i32
        %dma_start3A_314 = arith.constant 0 : i32
        %dma_start3A_315 = tpu.memref_slice %arg5[%dma_start3A_301, %dma_start3A_313, %dma_start3A_314] : memref<4x2x128xi32, #tpu.memory_space<vmem>> -> memref<1x2x128xi32, #tpu.memory_space<vmem>>
        %dma_start3A_316 = tpu.memref_squeeze %dma_start3A_315 : memref<1x2x128xi32, #tpu.memory_space<vmem>> -> memref<2x128xi32, #tpu.memory_space<vmem>>
        %dma_start3A_317 = arith.constant 0 : i32
        %dma_start3A_318 = arith.constant 0 : i32
        %dma_start3A_319 = tpu.memref_slice %arg3[%add3A, %add3A_300, %dma_start3A_317, %dma_start3A_318] : memref<32x80x2x128xi32, #tpu.memory_space<hbm>> -> memref<1x1x2x128xi32, #tpu.memory_space<hbm>>
        %dma_start3A_320 = tpu.memref_squeeze %dma_start3A_319 : memref<1x1x2x128xi32, #tpu.memory_space<hbm>> -> memref<2x128xi32, #tpu.memory_space<hbm>>
        tpu.enqueue_dma source(%dma_start3A_320 : memref<2x128xi32, #tpu.memory_space<hbm>>) target(%dma_start3A_316 : memref<2x128xi32, #tpu.memory_space<vmem>>) target_semaphore(%dma_start3A_312 : memref<!tpu.dma_semaphore, #tpu.memory_space<semaphore_mem>>)
      } else {
      }
      %add3A_181 = arith.constant 1 : i32
      %add3A_182 = arith.addi %mul3A_146, %add3A_181 : i32
      %add3A_183 = arith.constant 1 : i32
      %add3A_184 = arith.addi %add3A_182, %add3A_183 : i32
      %lt3A_185 = arith.constant 80 : i32
      %lt3A_186 = arith.cmpi slt, %add3A_184, %lt3A_185 : i32
      %convert_element_type3A_187 = arith.extui %lt3A_186 : i1 to i32
      %cond3A_188 = arith.constant 0 : i32
      %cond3A_189 = arith.cmpi ne, %convert_element_type3A_187, %cond3A_188 : i32
      scf.if %cond3A_189 {
        %add3A_299 = arith.constant 1 : i32
        %add3A_300 = arith.addi %add3A_182, %add3A_299 : i32
        %dma_wait3A_301 = arith.constant 2 : i32
        %dma_wait3A_302 = arith.constant 2 : i32
        %dma_wait3A_303 = arith.constant 0 : i32
        %dma_wait3A_304 = arith.constant 0 : i32
        %dma_wait3A_305 = tpu.memref_slice %arg5[%dma_wait3A_301, %dma_wait3A_303, %dma_wait3A_304] : memref<4x2x128xi32, #tpu.memory_space<vmem>> -> memref<1x2x128xi32, #tpu.memory_space<vmem>>
        %dma_wait3A_306 = tpu.memref_squeeze %dma_wait3A_305 : memref<1x2x128xi32, #tpu.memory_space<vmem>> -> memref<2x128xi32, #tpu.memory_space<vmem>>
        %dma_wait3A_307 = arith.constant 0 : i32
        %dma_wait3A_308 = arith.constant 0 : i32
        %dma_wait3A_309 = tpu.memref_slice %arg3[%add3A, %add3A_300, %dma_wait3A_307, %dma_wait3A_308] : memref<32x80x2x128xi32, #tpu.memory_space<hbm>> -> memref<1x1x2x128xi32, #tpu.memory_space<hbm>>
        %dma_wait3A_310 = tpu.memref_squeeze %dma_wait3A_309 : memref<1x1x2x128xi32, #tpu.memory_space<hbm>> -> memref<2x128xi32, #tpu.memory_space<hbm>>
        %dma_wait3A_311 = tpu.memref_slice %arg7[%dma_wait3A_302] : memref<4x!tpu.dma_semaphore, #tpu.memory_space<semaphore_mem>> -> memref<1x!tpu.dma_semaphore, #tpu.memory_space<semaphore_mem>>
        %dma_wait3A_312 = tpu.memref_squeeze %dma_wait3A_311 : memref<1x!tpu.dma_semaphore, #tpu.memory_space<semaphore_mem>> -> memref<!tpu.dma_semaphore, #tpu.memory_space<semaphore_mem>>
        %dma_wait3A_313 = arith.constant 0 : i32
        %dma_wait3A_314 = arith.constant 0 : i32
        %dma_wait3A_315 = tpu.memref_slice %arg5[%dma_wait3A_301, %dma_wait3A_313, %dma_wait3A_314] : memref<4x2x128xi32, #tpu.memory_space<vmem>> -> memref<1x2x128xi32, #tpu.memory_space<vmem>>
        %dma_wait3A_316 = tpu.memref_squeeze %dma_wait3A_315 : memref<1x2x128xi32, #tpu.memory_space<vmem>> -> memref<2x128xi32, #tpu.memory_space<vmem>>
        %dma_wait3A_317 = arith.constant 0 : i32
        %dma_wait3A_318 = arith.constant 0 : i32
        %dma_wait3A_319 = tpu.memref_slice %arg3[%add3A, %add3A_300, %dma_wait3A_317, %dma_wait3A_318] : memref<32x80x2x128xi32, #tpu.memory_space<hbm>> -> memref<1x1x2x128xi32, #tpu.memory_space<hbm>>
        %dma_wait3A_320 = tpu.memref_squeeze %dma_wait3A_319 : memref<1x1x2x128xi32, #tpu.memory_space<hbm>> -> memref<2x128xi32, #tpu.memory_space<hbm>>
        tpu.wait_dma2 semaphore(%dma_wait3A_312 : memref<!tpu.dma_semaphore, #tpu.memory_space<semaphore_mem>>) src(%dma_wait3A_320 : memref<2x128xi32, #tpu.memory_space<hbm>>) dst(%dma_wait3A_316 : memref<2x128xi32, #tpu.memory_space<vmem>>)
        %add3A_321 = arith.constant 1 : i32
        %add3A_322 = arith.addi %add3A_182, %add3A_321 : i32
        %and3A_323 = arith.constant 3 : i32
        %and3A_324 = arith.andi %add3A_322, %and3A_323 : i32
        %and3A_325 = arith.constant 1 : i32
        %and3A_326 = arith.andi %add3A_322, %and3A_325 : i32
        %and3A_327 = arith.constant 1 : i32
        %and3A_328 = arith.andi %add3A_322, %and3A_327 : i32
        %dma_start3A_329 = arith.constant 0 : i32
        %dma_start3A_330 = arith.constant 0 : i32
        %dma_start3A_331 = arith.constant 0 : i32
        %dma_start3A_332 = tpu.memref_slice %arg6[%and3A_326, %dma_start3A_330, %dma_start3A_331] : memref<2x128x128xf32, #tpu.memory_space<vmem>> -> memref<1x128x128xf32, #tpu.memory_space<vmem>>
        %dma_start3A_333 = tpu.memref_squeeze %dma_start3A_332 : memref<1x128x128xf32, #tpu.memory_space<vmem>> -> memref<128x128xf32, #tpu.memory_space<vmem>>
        %dma_start3A_334 = arith.constant 0 : i32
        %dma_start3A_335 = tpu.memref_slice %arg5[%and3A_324, %dma_start3A_329, %dma_start3A_334] : memref<4x2x128xi32, #tpu.memory_space<vmem>> -> memref<1x1x128xi32, #tpu.memory_space<vmem>>
        %dma_start3A_336 = tpu.memref_squeeze %dma_start3A_335 : memref<1x1x128xi32, #tpu.memory_space<vmem>> -> memref<128xi32, #tpu.memory_space<vmem>>
        %dma_start3A_337 = arith.constant 0 : i32
        %dma_start3A_338 = arith.constant 0 : i32
        %dma_start3A_339 = tpu.memref_slice %arg2[%dma_start3A_337, %dma_start3A_338] : memref<10240x128xf32, #tpu.memory_space<hbm>> -> memref<10240x128xf32, #tpu.memory_space<hbm>>
        %dma_start3A_340 = tpu.memref_slice %arg8[%and3A_328] : memref<2x!tpu.dma_semaphore, #tpu.memory_space<semaphore_mem>> -> memref<1x!tpu.dma_semaphore, #tpu.memory_space<semaphore_mem>>
        %dma_start3A_341 = tpu.memref_squeeze %dma_start3A_340 : memref<1x!tpu.dma_semaphore, #tpu.memory_space<semaphore_mem>> -> memref<!tpu.dma_semaphore, #tpu.memory_space<semaphore_mem>>
        tpu.enqueue_indirect_dma source(%dma_start3A_339 : memref<10240x128xf32, #tpu.memory_space<hbm>>) target(%dma_start3A_333 : memref<128x128xf32, #tpu.memory_space<vmem>>) offsets(%dma_start3A_336 : memref<128xi32, #tpu.memory_space<vmem>>) semaphore(%dma_start3A_341 : memref<!tpu.dma_semaphore, #tpu.memory_space<semaphore_mem>>)
      } else {
      }
      %and3A_190 = arith.constant 3 : i32
      %and3A_191 = arith.andi %add3A_182, %and3A_190 : i32
      %and3A_192 = arith.constant 1 : i32
      %and3A_193 = arith.andi %add3A_182, %and3A_192 : i32
      %and3A_194 = arith.constant 1 : i32
      %and3A_195 = arith.andi %add3A_182, %and3A_194 : i32
      %dma_wait3A_196 = arith.constant 0 : i32
      %dma_wait3A_197 = arith.constant 0 : i32
      %dma_wait3A_198 = arith.constant 0 : i32
      %dma_wait3A_199 = tpu.memref_slice %arg6[%and3A_193, %dma_wait3A_197, %dma_wait3A_198] : memref<2x128x128xf32, #tpu.memory_space<vmem>> -> memref<1x128x128xf32, #tpu.memory_space<vmem>>
      %dma_wait3A_200 = tpu.memref_squeeze %dma_wait3A_199 : memref<1x128x128xf32, #tpu.memory_space<vmem>> -> memref<128x128xf32, #tpu.memory_space<vmem>>
      %dma_wait3A_201 = arith.constant 0 : i32
      %dma_wait3A_202 = tpu.memref_slice %arg5[%and3A_191, %dma_wait3A_196, %dma_wait3A_201] : memref<4x2x128xi32, #tpu.memory_space<vmem>> -> memref<1x1x128xi32, #tpu.memory_space<vmem>>
      %dma_wait3A_203 = tpu.memref_squeeze %dma_wait3A_202 : memref<1x1x128xi32, #tpu.memory_space<vmem>> -> memref<128xi32, #tpu.memory_space<vmem>>
      %dma_wait3A_204 = arith.constant 0 : i32
      %dma_wait3A_205 = arith.constant 0 : i32
      %dma_wait3A_206 = tpu.memref_slice %arg2[%dma_wait3A_204, %dma_wait3A_205] : memref<10240x128xf32, #tpu.memory_space<hbm>> -> memref<10240x128xf32, #tpu.memory_space<hbm>>
      %dma_wait3A_207 = tpu.memref_slice %arg8[%and3A_195] : memref<2x!tpu.dma_semaphore, #tpu.memory_space<semaphore_mem>> -> memref<1x!tpu.dma_semaphore, #tpu.memory_space<semaphore_mem>>
      %dma_wait3A_208 = tpu.memref_squeeze %dma_wait3A_207 : memref<1x!tpu.dma_semaphore, #tpu.memory_space<semaphore_mem>> -> memref<!tpu.dma_semaphore, #tpu.memory_space<semaphore_mem>>
      tpu.wait_indirect_dma semaphore(%dma_wait3A_208 : memref<!tpu.dma_semaphore, #tpu.memory_space<semaphore_mem>>) src(%dma_wait3A_206 : memref<10240x128xf32, #tpu.memory_space<hbm>>) dst(%dma_wait3A_200 : memref<128x128xf32, #tpu.memory_space<vmem>>)
      %and3A_209 = arith.constant 1 : i32
      %and3A_210 = arith.andi %add3A_182, %and3A_209 : i32
      %run_scoped3A_211 = arith.constant 1 : i32
      %run_scoped3A_212 = arith.constant 1 : i32
      "tpu.region"() ({
        %run_scoped3A_299 = tpu.sem_alloc : memref<!tpu.dma_semaphore, #tpu.memory_space<semaphore_mem>>
        %dma_start3A_300 = arith.constant 0 : i32
        %dma_start3A_301 = arith.constant 0 : i32
        %dma_start3A_302 = tpu.memref_slice %arg6[%and3A_210, %dma_start3A_300, %dma_start3A_301] : memref<2x128x128xf32, #tpu.memory_space<vmem>> -> memref<1x128x128xf32, #tpu.memory_space<vmem>>
        %dma_start3A_303 = tpu.memref_squeeze %dma_start3A_302 : memref<1x128x128xf32, #tpu.memory_space<vmem>> -> memref<128x128xf32, #tpu.memory_space<vmem>>
        %dma_start3A_304 = arith.constant 0 : i32
        %dma_start3A_305 = tpu.memref_slice %arg5[%run_scoped3A_211, %run_scoped3A_212, %dma_start3A_304] : memref<4x2x128xi32, #tpu.memory_space<vmem>> -> memref<1x1x128xi32, #tpu.memory_space<vmem>>
        %dma_start3A_306 = tpu.memref_squeeze %dma_start3A_305 : memref<1x1x128xi32, #tpu.memory_space<vmem>> -> memref<128xi32, #tpu.memory_space<vmem>>
        %dma_start3A_307 = arith.constant 0 : i32
        %dma_start3A_308 = arith.constant 0 : i32
        %dma_start3A_309 = tpu.memref_slice %arg9[%dma_start3A_307, %dma_start3A_308] : memref<10240x128xf32, #tpu.memory_space<vmem_shared>> -> memref<10240x128xf32, #tpu.memory_space<vmem_shared>>
        tpu.enqueue_indirect_dma source(%dma_start3A_303 : memref<128x128xf32, #tpu.memory_space<vmem>>) target(%dma_start3A_309 : memref<10240x128xf32, #tpu.memory_space<vmem_shared>>) offsets(%dma_start3A_306 : memref<128xi32, #tpu.memory_space<vmem>>) semaphore(%run_scoped3A_299 : memref<!tpu.dma_semaphore, #tpu.memory_space<semaphore_mem>>) {add = true}
        %dma_wait3A_310 = arith.constant 0 : i32
        %dma_wait3A_311 = arith.constant 0 : i32
        %dma_wait3A_312 = tpu.memref_slice %arg6[%and3A_210, %dma_wait3A_310, %dma_wait3A_311] : memref<2x128x128xf32, #tpu.memory_space<vmem>> -> memref<1x128x128xf32, #tpu.memory_space<vmem>>
        %dma_wait3A_313 = tpu.memref_squeeze %dma_wait3A_312 : memref<1x128x128xf32, #tpu.memory_space<vmem>> -> memref<128x128xf32, #tpu.memory_space<vmem>>
        %dma_wait3A_314 = arith.constant 0 : i32
        %dma_wait3A_315 = tpu.memref_slice %arg5[%run_scoped3A_211, %run_scoped3A_212, %dma_wait3A_314] : memref<4x2x128xi32, #tpu.memory_space<vmem>> -> memref<1x1x128xi32, #tpu.memory_space<vmem>>
        %dma_wait3A_316 = tpu.memref_squeeze %dma_wait3A_315 : memref<1x1x128xi32, #tpu.memory_space<vmem>> -> memref<128xi32, #tpu.memory_space<vmem>>
        %dma_wait3A_317 = arith.constant 0 : i32
        %dma_wait3A_318 = arith.constant 0 : i32
        %dma_wait3A_319 = tpu.memref_slice %arg9[%dma_wait3A_317, %dma_wait3A_318] : memref<10240x128xf32, #tpu.memory_space<vmem_shared>> -> memref<10240x128xf32, #tpu.memory_space<vmem_shared>>
        tpu.wait_indirect_dma semaphore(%run_scoped3A_299 : memref<!tpu.dma_semaphore, #tpu.memory_space<semaphore_mem>>) src(%dma_wait3A_313 : memref<128x128xf32, #tpu.memory_space<vmem>>) dst(%dma_wait3A_319 : memref<10240x128xf32, #tpu.memory_space<vmem_shared>>)
        tpu.yield
      }) : () -> ()
      %add3A_213 = arith.constant 4 : i32
      %add3A_214 = arith.addi %add3A_182, %add3A_213 : i32
      %lt3A_215 = arith.constant 80 : i32
      %lt3A_216 = arith.cmpi slt, %add3A_214, %lt3A_215 : i32
      %convert_element_type3A_217 = arith.extui %lt3A_216 : i1 to i32
      %cond3A_218 = arith.constant 0 : i32
      %cond3A_219 = arith.cmpi ne, %convert_element_type3A_217, %cond3A_218 : i32
      scf.if %cond3A_219 {
        %add3A_299 = arith.constant 4 : i32
        %add3A_300 = arith.addi %add3A_182, %add3A_299 : i32
        %dma_start3A_301 = arith.constant 1 : i32
        %dma_start3A_302 = arith.constant 1 : i32
        %dma_start3A_303 = arith.constant 0 : i32
        %dma_start3A_304 = arith.constant 0 : i32
        %dma_start3A_305 = tpu.memref_slice %arg5[%dma_start3A_301, %dma_start3A_303, %dma_start3A_304] : memref<4x2x128xi32, #tpu.memory_space<vmem>> -> memref<1x2x128xi32, #tpu.memory_space<vmem>>
        %dma_start3A_306 = tpu.memref_squeeze %dma_start3A_305 : memref<1x2x128xi32, #tpu.memory_space<vmem>> -> memref<2x128xi32, #tpu.memory_space<vmem>>
        %dma_start3A_307 = arith.constant 0 : i32
        %dma_start3A_308 = arith.constant 0 : i32
        %dma_start3A_309 = tpu.memref_slice %arg3[%add3A, %add3A_300, %dma_start3A_307, %dma_start3A_308] : memref<32x80x2x128xi32, #tpu.memory_space<hbm>> -> memref<1x1x2x128xi32, #tpu.memory_space<hbm>>
        %dma_start3A_310 = tpu.memref_squeeze %dma_start3A_309 : memref<1x1x2x128xi32, #tpu.memory_space<hbm>> -> memref<2x128xi32, #tpu.memory_space<hbm>>
        %dma_start3A_311 = tpu.memref_slice %arg7[%dma_start3A_302] : memref<4x!tpu.dma_semaphore, #tpu.memory_space<semaphore_mem>> -> memref<1x!tpu.dma_semaphore, #tpu.memory_space<semaphore_mem>>
        %dma_start3A_312 = tpu.memref_squeeze %dma_start3A_311 : memref<1x!tpu.dma_semaphore, #tpu.memory_space<semaphore_mem>> -> memref<!tpu.dma_semaphore, #tpu.memory_space<semaphore_mem>>
        %dma_start3A_313 = arith.constant 0 : i32
        %dma_start3A_314 = arith.constant 0 : i32
        %dma_start3A_315 = tpu.memref_slice %arg5[%dma_start3A_301, %dma_start3A_313, %dma_start3A_314] : memref<4x2x128xi32, #tpu.memory_space<vmem>> -> memref<1x2x128xi32, #tpu.memory_space<vmem>>
        %dma_start3A_316 = tpu.memref_squeeze %dma_start3A_315 : memref<1x2x128xi32, #tpu.memory_space<vmem>> -> memref<2x128xi32, #tpu.memory_space<vmem>>
        %dma_start3A_317 = arith.constant 0 : i32
        %dma_start3A_318 = arith.constant 0 : i32
        %dma_start3A_319 = tpu.memref_slice %arg3[%add3A, %add3A_300, %dma_start3A_317, %dma_start3A_318] : memref<32x80x2x128xi32, #tpu.memory_space<hbm>> -> memref<1x1x2x128xi32, #tpu.memory_space<hbm>>
        %dma_start3A_320 = tpu.memref_squeeze %dma_start3A_319 : memref<1x1x2x128xi32, #tpu.memory_space<hbm>> -> memref<2x128xi32, #tpu.memory_space<hbm>>
        tpu.enqueue_dma source(%dma_start3A_320 : memref<2x128xi32, #tpu.memory_space<hbm>>) target(%dma_start3A_316 : memref<2x128xi32, #tpu.memory_space<vmem>>) target_semaphore(%dma_start3A_312 : memref<!tpu.dma_semaphore, #tpu.memory_space<semaphore_mem>>)
      } else {
      }
      %add3A_220 = arith.constant 2 : i32
      %add3A_221 = arith.addi %mul3A_146, %add3A_220 : i32
      %add3A_222 = arith.constant 1 : i32
      %add3A_223 = arith.addi %add3A_221, %add3A_222 : i32
      %lt3A_224 = arith.constant 80 : i32
      %lt3A_225 = arith.cmpi slt, %add3A_223, %lt3A_224 : i32
      %convert_element_type3A_226 = arith.extui %lt3A_225 : i1 to i32
      %cond3A_227 = arith.constant 0 : i32
      %cond3A_228 = arith.cmpi ne, %convert_element_type3A_226, %cond3A_227 : i32
      scf.if %cond3A_228 {
        %add3A_299 = arith.constant 1 : i32
        %add3A_300 = arith.addi %add3A_221, %add3A_299 : i32
        %dma_wait3A_301 = arith.constant 3 : i32
        %dma_wait3A_302 = arith.constant 3 : i32
        %dma_wait3A_303 = arith.constant 0 : i32
        %dma_wait3A_304 = arith.constant 0 : i32
        %dma_wait3A_305 = tpu.memref_slice %arg5[%dma_wait3A_301, %dma_wait3A_303, %dma_wait3A_304] : memref<4x2x128xi32, #tpu.memory_space<vmem>> -> memref<1x2x128xi32, #tpu.memory_space<vmem>>
        %dma_wait3A_306 = tpu.memref_squeeze %dma_wait3A_305 : memref<1x2x128xi32, #tpu.memory_space<vmem>> -> memref<2x128xi32, #tpu.memory_space<vmem>>
        %dma_wait3A_307 = arith.constant 0 : i32
        %dma_wait3A_308 = arith.constant 0 : i32
        %dma_wait3A_309 = tpu.memref_slice %arg3[%add3A, %add3A_300, %dma_wait3A_307, %dma_wait3A_308] : memref<32x80x2x128xi32, #tpu.memory_space<hbm>> -> memref<1x1x2x128xi32, #tpu.memory_space<hbm>>
        %dma_wait3A_310 = tpu.memref_squeeze %dma_wait3A_309 : memref<1x1x2x128xi32, #tpu.memory_space<hbm>> -> memref<2x128xi32, #tpu.memory_space<hbm>>
        %dma_wait3A_311 = tpu.memref_slice %arg7[%dma_wait3A_302] : memref<4x!tpu.dma_semaphore, #tpu.memory_space<semaphore_mem>> -> memref<1x!tpu.dma_semaphore, #tpu.memory_space<semaphore_mem>>
        %dma_wait3A_312 = tpu.memref_squeeze %dma_wait3A_311 : memref<1x!tpu.dma_semaphore, #tpu.memory_space<semaphore_mem>> -> memref<!tpu.dma_semaphore, #tpu.memory_space<semaphore_mem>>
        %dma_wait3A_313 = arith.constant 0 : i32
        %dma_wait3A_314 = arith.constant 0 : i32
        %dma_wait3A_315 = tpu.memref_slice %arg5[%dma_wait3A_301, %dma_wait3A_313, %dma_wait3A_314] : memref<4x2x128xi32, #tpu.memory_space<vmem>> -> memref<1x2x128xi32, #tpu.memory_space<vmem>>
        %dma_wait3A_316 = tpu.memref_squeeze %dma_wait3A_315 : memref<1x2x128xi32, #tpu.memory_space<vmem>> -> memref<2x128xi32, #tpu.memory_space<vmem>>
        %dma_wait3A_317 = arith.constant 0 : i32
        %dma_wait3A_318 = arith.constant 0 : i32
        %dma_wait3A_319 = tpu.memref_slice %arg3[%add3A, %add3A_300, %dma_wait3A_317, %dma_wait3A_318] : memref<32x80x2x128xi32, #tpu.memory_space<hbm>> -> memref<1x1x2x128xi32, #tpu.memory_space<hbm>>
        %dma_wait3A_320 = tpu.memref_squeeze %dma_wait3A_319 : memref<1x1x2x128xi32, #tpu.memory_space<hbm>> -> memref<2x128xi32, #tpu.memory_space<hbm>>
        tpu.wait_dma2 semaphore(%dma_wait3A_312 : memref<!tpu.dma_semaphore, #tpu.memory_space<semaphore_mem>>) src(%dma_wait3A_320 : memref<2x128xi32, #tpu.memory_space<hbm>>) dst(%dma_wait3A_316 : memref<2x128xi32, #tpu.memory_space<vmem>>)
        %add3A_321 = arith.constant 1 : i32
        %add3A_322 = arith.addi %add3A_221, %add3A_321 : i32
        %and3A_323 = arith.constant 3 : i32
        %and3A_324 = arith.andi %add3A_322, %and3A_323 : i32
        %and3A_325 = arith.constant 1 : i32
        %and3A_326 = arith.andi %add3A_322, %and3A_325 : i32
        %and3A_327 = arith.constant 1 : i32
        %and3A_328 = arith.andi %add3A_322, %and3A_327 : i32
        %dma_start3A_329 = arith.constant 0 : i32
        %dma_start3A_330 = arith.constant 0 : i32
        %dma_start3A_331 = arith.constant 0 : i32
        %dma_start3A_332 = tpu.memref_slice %arg6[%and3A_326, %dma_start3A_330, %dma_start3A_331] : memref<2x128x128xf32, #tpu.memory_space<vmem>> -> memref<1x128x128xf32, #tpu.memory_space<vmem>>
        %dma_start3A_333 = tpu.memref_squeeze %dma_start3A_332 : memref<1x128x128xf32, #tpu.memory_space<vmem>> -> memref<128x128xf32, #tpu.memory_space<vmem>>
        %dma_start3A_334 = arith.constant 0 : i32
        %dma_start3A_335 = tpu.memref_slice %arg5[%and3A_324, %dma_start3A_329, %dma_start3A_334] : memref<4x2x128xi32, #tpu.memory_space<vmem>> -> memref<1x1x128xi32, #tpu.memory_space<vmem>>
        %dma_start3A_336 = tpu.memref_squeeze %dma_start3A_335 : memref<1x1x128xi32, #tpu.memory_space<vmem>> -> memref<128xi32, #tpu.memory_space<vmem>>
        %dma_start3A_337 = arith.constant 0 : i32
        %dma_start3A_338 = arith.constant 0 : i32
        %dma_start3A_339 = tpu.memref_slice %arg2[%dma_start3A_337, %dma_start3A_338] : memref<10240x128xf32, #tpu.memory_space<hbm>> -> memref<10240x128xf32, #tpu.memory_space<hbm>>
        %dma_start3A_340 = tpu.memref_slice %arg8[%and3A_328] : memref<2x!tpu.dma_semaphore, #tpu.memory_space<semaphore_mem>> -> memref<1x!tpu.dma_semaphore, #tpu.memory_space<semaphore_mem>>
        %dma_start3A_341 = tpu.memref_squeeze %dma_start3A_340 : memref<1x!tpu.dma_semaphore, #tpu.memory_space<semaphore_mem>> -> memref<!tpu.dma_semaphore, #tpu.memory_space<semaphore_mem>>
        tpu.enqueue_indirect_dma source(%dma_start3A_339 : memref<10240x128xf32, #tpu.memory_space<hbm>>) target(%dma_start3A_333 : memref<128x128xf32, #tpu.memory_space<vmem>>) offsets(%dma_start3A_336 : memref<128xi32, #tpu.memory_space<vmem>>) semaphore(%dma_start3A_341 : memref<!tpu.dma_semaphore, #tpu.memory_space<semaphore_mem>>)
      } else {
      }
      %and3A_229 = arith.constant 3 : i32
      %and3A_230 = arith.andi %add3A_221, %and3A_229 : i32
      %and3A_231 = arith.constant 1 : i32
      %and3A_232 = arith.andi %add3A_221, %and3A_231 : i32
      %and3A_233 = arith.constant 1 : i32
      %and3A_234 = arith.andi %add3A_221, %and3A_233 : i32
      %dma_wait3A_235 = arith.constant 0 : i32
      %dma_wait3A_236 = arith.constant 0 : i32
      %dma_wait3A_237 = arith.constant 0 : i32
      %dma_wait3A_238 = tpu.memref_slice %arg6[%and3A_232, %dma_wait3A_236, %dma_wait3A_237] : memref<2x128x128xf32, #tpu.memory_space<vmem>> -> memref<1x128x128xf32, #tpu.memory_space<vmem>>
      %dma_wait3A_239 = tpu.memref_squeeze %dma_wait3A_238 : memref<1x128x128xf32, #tpu.memory_space<vmem>> -> memref<128x128xf32, #tpu.memory_space<vmem>>
      %dma_wait3A_240 = arith.constant 0 : i32
      %dma_wait3A_241 = tpu.memref_slice %arg5[%and3A_230, %dma_wait3A_235, %dma_wait3A_240] : memref<4x2x128xi32, #tpu.memory_space<vmem>> -> memref<1x1x128xi32, #tpu.memory_space<vmem>>
      %dma_wait3A_242 = tpu.memref_squeeze %dma_wait3A_241 : memref<1x1x128xi32, #tpu.memory_space<vmem>> -> memref<128xi32, #tpu.memory_space<vmem>>
      %dma_wait3A_243 = arith.constant 0 : i32
      %dma_wait3A_244 = arith.constant 0 : i32
      %dma_wait3A_245 = tpu.memref_slice %arg2[%dma_wait3A_243, %dma_wait3A_244] : memref<10240x128xf32, #tpu.memory_space<hbm>> -> memref<10240x128xf32, #tpu.memory_space<hbm>>
      %dma_wait3A_246 = tpu.memref_slice %arg8[%and3A_234] : memref<2x!tpu.dma_semaphore, #tpu.memory_space<semaphore_mem>> -> memref<1x!tpu.dma_semaphore, #tpu.memory_space<semaphore_mem>>
      %dma_wait3A_247 = tpu.memref_squeeze %dma_wait3A_246 : memref<1x!tpu.dma_semaphore, #tpu.memory_space<semaphore_mem>> -> memref<!tpu.dma_semaphore, #tpu.memory_space<semaphore_mem>>
      tpu.wait_indirect_dma semaphore(%dma_wait3A_247 : memref<!tpu.dma_semaphore, #tpu.memory_space<semaphore_mem>>) src(%dma_wait3A_245 : memref<10240x128xf32, #tpu.memory_space<hbm>>) dst(%dma_wait3A_239 : memref<128x128xf32, #tpu.memory_space<vmem>>)
      %and3A_248 = arith.constant 1 : i32
      %and3A_249 = arith.andi %add3A_221, %and3A_248 : i32
      %run_scoped3A_250 = arith.constant 2 : i32
      %run_scoped3A_251 = arith.constant 1 : i32
      "tpu.region"() ({
        %run_scoped3A_299 = tpu.sem_alloc : memref<!tpu.dma_semaphore, #tpu.memory_space<semaphore_mem>>
        %dma_start3A_300 = arith.constant 0 : i32
        %dma_start3A_301 = arith.constant 0 : i32
        %dma_start3A_302 = tpu.memref_slice %arg6[%and3A_249, %dma_start3A_300, %dma_start3A_301] : memref<2x128x128xf32, #tpu.memory_space<vmem>> -> memref<1x128x128xf32, #tpu.memory_space<vmem>>
        %dma_start3A_303 = tpu.memref_squeeze %dma_start3A_302 : memref<1x128x128xf32, #tpu.memory_space<vmem>> -> memref<128x128xf32, #tpu.memory_space<vmem>>
        %dma_start3A_304 = arith.constant 0 : i32
        %dma_start3A_305 = tpu.memref_slice %arg5[%run_scoped3A_250, %run_scoped3A_251, %dma_start3A_304] : memref<4x2x128xi32, #tpu.memory_space<vmem>> -> memref<1x1x128xi32, #tpu.memory_space<vmem>>
        %dma_start3A_306 = tpu.memref_squeeze %dma_start3A_305 : memref<1x1x128xi32, #tpu.memory_space<vmem>> -> memref<128xi32, #tpu.memory_space<vmem>>
        %dma_start3A_307 = arith.constant 0 : i32
        %dma_start3A_308 = arith.constant 0 : i32
        %dma_start3A_309 = tpu.memref_slice %arg9[%dma_start3A_307, %dma_start3A_308] : memref<10240x128xf32, #tpu.memory_space<vmem_shared>> -> memref<10240x128xf32, #tpu.memory_space<vmem_shared>>
        tpu.enqueue_indirect_dma source(%dma_start3A_303 : memref<128x128xf32, #tpu.memory_space<vmem>>) target(%dma_start3A_309 : memref<10240x128xf32, #tpu.memory_space<vmem_shared>>) offsets(%dma_start3A_306 : memref<128xi32, #tpu.memory_space<vmem>>) semaphore(%run_scoped3A_299 : memref<!tpu.dma_semaphore, #tpu.memory_space<semaphore_mem>>) {add = true}
        %dma_wait3A_310 = arith.constant 0 : i32
        %dma_wait3A_311 = arith.constant 0 : i32
        %dma_wait3A_312 = tpu.memref_slice %arg6[%and3A_249, %dma_wait3A_310, %dma_wait3A_311] : memref<2x128x128xf32, #tpu.memory_space<vmem>> -> memref<1x128x128xf32, #tpu.memory_space<vmem>>
        %dma_wait3A_313 = tpu.memref_squeeze %dma_wait3A_312 : memref<1x128x128xf32, #tpu.memory_space<vmem>> -> memref<128x128xf32, #tpu.memory_space<vmem>>
        %dma_wait3A_314 = arith.constant 0 : i32
        %dma_wait3A_315 = tpu.memref_slice %arg5[%run_scoped3A_250, %run_scoped3A_251, %dma_wait3A_314] : memref<4x2x128xi32, #tpu.memory_space<vmem>> -> memref<1x1x128xi32, #tpu.memory_space<vmem>>
        %dma_wait3A_316 = tpu.memref_squeeze %dma_wait3A_315 : memref<1x1x128xi32, #tpu.memory_space<vmem>> -> memref<128xi32, #tpu.memory_space<vmem>>
        %dma_wait3A_317 = arith.constant 0 : i32
        %dma_wait3A_318 = arith.constant 0 : i32
        %dma_wait3A_319 = tpu.memref_slice %arg9[%dma_wait3A_317, %dma_wait3A_318] : memref<10240x128xf32, #tpu.memory_space<vmem_shared>> -> memref<10240x128xf32, #tpu.memory_space<vmem_shared>>
        tpu.wait_indirect_dma semaphore(%run_scoped3A_299 : memref<!tpu.dma_semaphore, #tpu.memory_space<semaphore_mem>>) src(%dma_wait3A_313 : memref<128x128xf32, #tpu.memory_space<vmem>>) dst(%dma_wait3A_319 : memref<10240x128xf32, #tpu.memory_space<vmem_shared>>)
        tpu.yield
      }) : () -> ()
      %add3A_252 = arith.constant 4 : i32
      %add3A_253 = arith.addi %add3A_221, %add3A_252 : i32
      %lt3A_254 = arith.constant 80 : i32
      %lt3A_255 = arith.cmpi slt, %add3A_253, %lt3A_254 : i32
      %convert_element_type3A_256 = arith.extui %lt3A_255 : i1 to i32
      %cond3A_257 = arith.constant 0 : i32
      %cond3A_258 = arith.cmpi ne, %convert_element_type3A_256, %cond3A_257 : i32
      scf.if %cond3A_258 {
        %add3A_299 = arith.constant 4 : i32
        %add3A_300 = arith.addi %add3A_221, %add3A_299 : i32
        %dma_start3A_301 = arith.constant 2 : i32
        %dma_start3A_302 = arith.constant 2 : i32
        %dma_start3A_303 = arith.constant 0 : i32
        %dma_start3A_304 = arith.constant 0 : i32
        %dma_start3A_305 = tpu.memref_slice %arg5[%dma_start3A_301, %dma_start3A_303, %dma_start3A_304] : memref<4x2x128xi32, #tpu.memory_space<vmem>> -> memref<1x2x128xi32, #tpu.memory_space<vmem>>
        %dma_start3A_306 = tpu.memref_squeeze %dma_start3A_305 : memref<1x2x128xi32, #tpu.memory_space<vmem>> -> memref<2x128xi32, #tpu.memory_space<vmem>>
        %dma_start3A_307 = arith.constant 0 : i32
        %dma_start3A_308 = arith.constant 0 : i32
        %dma_start3A_309 = tpu.memref_slice %arg3[%add3A, %add3A_300, %dma_start3A_307, %dma_start3A_308] : memref<32x80x2x128xi32, #tpu.memory_space<hbm>> -> memref<1x1x2x128xi32, #tpu.memory_space<hbm>>
        %dma_start3A_310 = tpu.memref_squeeze %dma_start3A_309 : memref<1x1x2x128xi32, #tpu.memory_space<hbm>> -> memref<2x128xi32, #tpu.memory_space<hbm>>
        %dma_start3A_311 = tpu.memref_slice %arg7[%dma_start3A_302] : memref<4x!tpu.dma_semaphore, #tpu.memory_space<semaphore_mem>> -> memref<1x!tpu.dma_semaphore, #tpu.memory_space<semaphore_mem>>
        %dma_start3A_312 = tpu.memref_squeeze %dma_start3A_311 : memref<1x!tpu.dma_semaphore, #tpu.memory_space<semaphore_mem>> -> memref<!tpu.dma_semaphore, #tpu.memory_space<semaphore_mem>>
        %dma_start3A_313 = arith.constant 0 : i32
        %dma_start3A_314 = arith.constant 0 : i32
        %dma_start3A_315 = tpu.memref_slice %arg5[%dma_start3A_301, %dma_start3A_313, %dma_start3A_314] : memref<4x2x128xi32, #tpu.memory_space<vmem>> -> memref<1x2x128xi32, #tpu.memory_space<vmem>>
        %dma_start3A_316 = tpu.memref_squeeze %dma_start3A_315 : memref<1x2x128xi32, #tpu.memory_space<vmem>> -> memref<2x128xi32, #tpu.memory_space<vmem>>
        %dma_start3A_317 = arith.constant 0 : i32
        %dma_start3A_318 = arith.constant 0 : i32
        %dma_start3A_319 = tpu.memref_slice %arg3[%add3A, %add3A_300, %dma_start3A_317, %dma_start3A_318] : memref<32x80x2x128xi32, #tpu.memory_space<hbm>> -> memref<1x1x2x128xi32, #tpu.memory_space<hbm>>
        %dma_start3A_320 = tpu.memref_squeeze %dma_start3A_319 : memref<1x1x2x128xi32, #tpu.memory_space<hbm>> -> memref<2x128xi32, #tpu.memory_space<hbm>>
        tpu.enqueue_dma source(%dma_start3A_320 : memref<2x128xi32, #tpu.memory_space<hbm>>) target(%dma_start3A_316 : memref<2x128xi32, #tpu.memory_space<vmem>>) target_semaphore(%dma_start3A_312 : memref<!tpu.dma_semaphore, #tpu.memory_space<semaphore_mem>>)
      } else {
      }
      %add3A_259 = arith.constant 3 : i32
      %add3A_260 = arith.addi %mul3A_146, %add3A_259 : i32
      %add3A_261 = arith.constant 1 : i32
      %add3A_262 = arith.addi %add3A_260, %add3A_261 : i32
      %lt3A_263 = arith.constant 80 : i32
      %lt3A_264 = arith.cmpi slt, %add3A_262, %lt3A_263 : i32
      %convert_element_type3A_265 = arith.extui %lt3A_264 : i1 to i32
      %cond3A_266 = arith.constant 0 : i32
      %cond3A_267 = arith.cmpi ne, %convert_element_type3A_265, %cond3A_266 : i32
      scf.if %cond3A_267 {
        %add3A_299 = arith.constant 1 : i32
        %add3A_300 = arith.addi %add3A_260, %add3A_299 : i32
        %dma_wait3A_301 = arith.constant 0 : i32
        %dma_wait3A_302 = arith.constant 0 : i32
        %dma_wait3A_303 = arith.constant 0 : i32
        %dma_wait3A_304 = arith.constant 0 : i32
        %dma_wait3A_305 = tpu.memref_slice %arg5[%dma_wait3A_301, %dma_wait3A_303, %dma_wait3A_304] : memref<4x2x128xi32, #tpu.memory_space<vmem>> -> memref<1x2x128xi32, #tpu.memory_space<vmem>>
        %dma_wait3A_306 = tpu.memref_squeeze %dma_wait3A_305 : memref<1x2x128xi32, #tpu.memory_space<vmem>> -> memref<2x128xi32, #tpu.memory_space<vmem>>
        %dma_wait3A_307 = arith.constant 0 : i32
        %dma_wait3A_308 = arith.constant 0 : i32
        %dma_wait3A_309 = tpu.memref_slice %arg3[%add3A, %add3A_300, %dma_wait3A_307, %dma_wait3A_308] : memref<32x80x2x128xi32, #tpu.memory_space<hbm>> -> memref<1x1x2x128xi32, #tpu.memory_space<hbm>>
        %dma_wait3A_310 = tpu.memref_squeeze %dma_wait3A_309 : memref<1x1x2x128xi32, #tpu.memory_space<hbm>> -> memref<2x128xi32, #tpu.memory_space<hbm>>
        %dma_wait3A_311 = tpu.memref_slice %arg7[%dma_wait3A_302] : memref<4x!tpu.dma_semaphore, #tpu.memory_space<semaphore_mem>> -> memref<1x!tpu.dma_semaphore, #tpu.memory_space<semaphore_mem>>
        %dma_wait3A_312 = tpu.memref_squeeze %dma_wait3A_311 : memref<1x!tpu.dma_semaphore, #tpu.memory_space<semaphore_mem>> -> memref<!tpu.dma_semaphore, #tpu.memory_space<semaphore_mem>>
        %dma_wait3A_313 = arith.constant 0 : i32
        %dma_wait3A_314 = arith.constant 0 : i32
        %dma_wait3A_315 = tpu.memref_slice %arg5[%dma_wait3A_301, %dma_wait3A_313, %dma_wait3A_314] : memref<4x2x128xi32, #tpu.memory_space<vmem>> -> memref<1x2x128xi32, #tpu.memory_space<vmem>>
        %dma_wait3A_316 = tpu.memref_squeeze %dma_wait3A_315 : memref<1x2x128xi32, #tpu.memory_space<vmem>> -> memref<2x128xi32, #tpu.memory_space<vmem>>
        %dma_wait3A_317 = arith.constant 0 : i32
        %dma_wait3A_318 = arith.constant 0 : i32
        %dma_wait3A_319 = tpu.memref_slice %arg3[%add3A, %add3A_300, %dma_wait3A_317, %dma_wait3A_318] : memref<32x80x2x128xi32, #tpu.memory_space<hbm>> -> memref<1x1x2x128xi32, #tpu.memory_space<hbm>>
        %dma_wait3A_320 = tpu.memref_squeeze %dma_wait3A_319 : memref<1x1x2x128xi32, #tpu.memory_space<hbm>> -> memref<2x128xi32, #tpu.memory_space<hbm>>
        tpu.wait_dma2 semaphore(%dma_wait3A_312 : memref<!tpu.dma_semaphore, #tpu.memory_space<semaphore_mem>>) src(%dma_wait3A_320 : memref<2x128xi32, #tpu.memory_space<hbm>>) dst(%dma_wait3A_316 : memref<2x128xi32, #tpu.memory_space<vmem>>)
        %add3A_321 = arith.constant 1 : i32
        %add3A_322 = arith.addi %add3A_260, %add3A_321 : i32
        %and3A_323 = arith.constant 3 : i32
        %and3A_324 = arith.andi %add3A_322, %and3A_323 : i32
        %and3A_325 = arith.constant 1 : i32
        %and3A_326 = arith.andi %add3A_322, %and3A_325 : i32
        %and3A_327 = arith.constant 1 : i32
        %and3A_328 = arith.andi %add3A_322, %and3A_327 : i32
        %dma_start3A_329 = arith.constant 0 : i32
        %dma_start3A_330 = arith.constant 0 : i32
        %dma_start3A_331 = arith.constant 0 : i32
        %dma_start3A_332 = tpu.memref_slice %arg6[%and3A_326, %dma_start3A_330, %dma_start3A_331] : memref<2x128x128xf32, #tpu.memory_space<vmem>> -> memref<1x128x128xf32, #tpu.memory_space<vmem>>
        %dma_start3A_333 = tpu.memref_squeeze %dma_start3A_332 : memref<1x128x128xf32, #tpu.memory_space<vmem>> -> memref<128x128xf32, #tpu.memory_space<vmem>>
        %dma_start3A_334 = arith.constant 0 : i32
        %dma_start3A_335 = tpu.memref_slice %arg5[%and3A_324, %dma_start3A_329, %dma_start3A_334] : memref<4x2x128xi32, #tpu.memory_space<vmem>> -> memref<1x1x128xi32, #tpu.memory_space<vmem>>
        %dma_start3A_336 = tpu.memref_squeeze %dma_start3A_335 : memref<1x1x128xi32, #tpu.memory_space<vmem>> -> memref<128xi32, #tpu.memory_space<vmem>>
        %dma_start3A_337 = arith.constant 0 : i32
        %dma_start3A_338 = arith.constant 0 : i32
        %dma_start3A_339 = tpu.memref_slice %arg2[%dma_start3A_337, %dma_start3A_338] : memref<10240x128xf32, #tpu.memory_space<hbm>> -> memref<10240x128xf32, #tpu.memory_space<hbm>>
        %dma_start3A_340 = tpu.memref_slice %arg8[%and3A_328] : memref<2x!tpu.dma_semaphore, #tpu.memory_space<semaphore_mem>> -> memref<1x!tpu.dma_semaphore, #tpu.memory_space<semaphore_mem>>
        %dma_start3A_341 = tpu.memref_squeeze %dma_start3A_340 : memref<1x!tpu.dma_semaphore, #tpu.memory_space<semaphore_mem>> -> memref<!tpu.dma_semaphore, #tpu.memory_space<semaphore_mem>>
        tpu.enqueue_indirect_dma source(%dma_start3A_339 : memref<10240x128xf32, #tpu.memory_space<hbm>>) target(%dma_start3A_333 : memref<128x128xf32, #tpu.memory_space<vmem>>) offsets(%dma_start3A_336 : memref<128xi32, #tpu.memory_space<vmem>>) semaphore(%dma_start3A_341 : memref<!tpu.dma_semaphore, #tpu.memory_space<semaphore_mem>>)
      } else {
      }
      %and3A_268 = arith.constant 3 : i32
      %and3A_269 = arith.andi %add3A_260, %and3A_268 : i32
      %and3A_270 = arith.constant 1 : i32
      %and3A_271 = arith.andi %add3A_260, %and3A_270 : i32
      %and3A_272 = arith.constant 1 : i32
      %and3A_273 = arith.andi %add3A_260, %and3A_272 : i32
      %dma_wait3A_274 = arith.constant 0 : i32
      %dma_wait3A_275 = arith.constant 0 : i32
      %dma_wait3A_276 = arith.constant 0 : i32
      %dma_wait3A_277 = tpu.memref_slice %arg6[%and3A_271, %dma_wait3A_275, %dma_wait3A_276] : memref<2x128x128xf32, #tpu.memory_space<vmem>> -> memref<1x128x128xf32, #tpu.memory_space<vmem>>
      %dma_wait3A_278 = tpu.memref_squeeze %dma_wait3A_277 : memref<1x128x128xf32, #tpu.memory_space<vmem>> -> memref<128x128xf32, #tpu.memory_space<vmem>>
      %dma_wait3A_279 = arith.constant 0 : i32
      %dma_wait3A_280 = tpu.memref_slice %arg5[%and3A_269, %dma_wait3A_274, %dma_wait3A_279] : memref<4x2x128xi32, #tpu.memory_space<vmem>> -> memref<1x1x128xi32, #tpu.memory_space<vmem>>
      %dma_wait3A_281 = tpu.memref_squeeze %dma_wait3A_280 : memref<1x1x128xi32, #tpu.memory_space<vmem>> -> memref<128xi32, #tpu.memory_space<vmem>>
      %dma_wait3A_282 = arith.constant 0 : i32
      %dma_wait3A_283 = arith.constant 0 : i32
      %dma_wait3A_284 = tpu.memref_slice %arg2[%dma_wait3A_282, %dma_wait3A_283] : memref<10240x128xf32, #tpu.memory_space<hbm>> -> memref<10240x128xf32, #tpu.memory_space<hbm>>
      %dma_wait3A_285 = tpu.memref_slice %arg8[%and3A_273] : memref<2x!tpu.dma_semaphore, #tpu.memory_space<semaphore_mem>> -> memref<1x!tpu.dma_semaphore, #tpu.memory_space<semaphore_mem>>
      %dma_wait3A_286 = tpu.memref_squeeze %dma_wait3A_285 : memref<1x!tpu.dma_semaphore, #tpu.memory_space<semaphore_mem>> -> memref<!tpu.dma_semaphore, #tpu.memory_space<semaphore_mem>>
      tpu.wait_indirect_dma semaphore(%dma_wait3A_286 : memref<!tpu.dma_semaphore, #tpu.memory_space<semaphore_mem>>) src(%dma_wait3A_284 : memref<10240x128xf32, #tpu.memory_space<hbm>>) dst(%dma_wait3A_278 : memref<128x128xf32, #tpu.memory_space<vmem>>)
      %and3A_287 = arith.constant 1 : i32
      %and3A_288 = arith.andi %add3A_260, %and3A_287 : i32
      %run_scoped3A_289 = arith.constant 3 : i32
      %run_scoped3A_290 = arith.constant 1 : i32
      "tpu.region"() ({
        %run_scoped3A_299 = tpu.sem_alloc : memref<!tpu.dma_semaphore, #tpu.memory_space<semaphore_mem>>
        %dma_start3A_300 = arith.constant 0 : i32
        %dma_start3A_301 = arith.constant 0 : i32
        %dma_start3A_302 = tpu.memref_slice %arg6[%and3A_288, %dma_start3A_300, %dma_start3A_301] : memref<2x128x128xf32, #tpu.memory_space<vmem>> -> memref<1x128x128xf32, #tpu.memory_space<vmem>>
        %dma_start3A_303 = tpu.memref_squeeze %dma_start3A_302 : memref<1x128x128xf32, #tpu.memory_space<vmem>> -> memref<128x128xf32, #tpu.memory_space<vmem>>
        %dma_start3A_304 = arith.constant 0 : i32
        %dma_start3A_305 = tpu.memref_slice %arg5[%run_scoped3A_289, %run_scoped3A_290, %dma_start3A_304] : memref<4x2x128xi32, #tpu.memory_space<vmem>> -> memref<1x1x128xi32, #tpu.memory_space<vmem>>
        %dma_start3A_306 = tpu.memref_squeeze %dma_start3A_305 : memref<1x1x128xi32, #tpu.memory_space<vmem>> -> memref<128xi32, #tpu.memory_space<vmem>>
        %dma_start3A_307 = arith.constant 0 : i32
        %dma_start3A_308 = arith.constant 0 : i32
        %dma_start3A_309 = tpu.memref_slice %arg9[%dma_start3A_307, %dma_start3A_308] : memref<10240x128xf32, #tpu.memory_space<vmem_shared>> -> memref<10240x128xf32, #tpu.memory_space<vmem_shared>>
        tpu.enqueue_indirect_dma source(%dma_start3A_303 : memref<128x128xf32, #tpu.memory_space<vmem>>) target(%dma_start3A_309 : memref<10240x128xf32, #tpu.memory_space<vmem_shared>>) offsets(%dma_start3A_306 : memref<128xi32, #tpu.memory_space<vmem>>) semaphore(%run_scoped3A_299 : memref<!tpu.dma_semaphore, #tpu.memory_space<semaphore_mem>>) {add = true}
        %dma_wait3A_310 = arith.constant 0 : i32
        %dma_wait3A_311 = arith.constant 0 : i32
        %dma_wait3A_312 = tpu.memref_slice %arg6[%and3A_288, %dma_wait3A_310, %dma_wait3A_311] : memref<2x128x128xf32, #tpu.memory_space<vmem>> -> memref<1x128x128xf32, #tpu.memory_space<vmem>>
        %dma_wait3A_313 = tpu.memref_squeeze %dma_wait3A_312 : memref<1x128x128xf32, #tpu.memory_space<vmem>> -> memref<128x128xf32, #tpu.memory_space<vmem>>
        %dma_wait3A_314 = arith.constant 0 : i32
        %dma_wait3A_315 = tpu.memref_slice %arg5[%run_scoped3A_289, %run_scoped3A_290, %dma_wait3A_314] : memref<4x2x128xi32, #tpu.memory_space<vmem>> -> memref<1x1x128xi32, #tpu.memory_space<vmem>>
        %dma_wait3A_316 = tpu.memref_squeeze %dma_wait3A_315 : memref<1x1x128xi32, #tpu.memory_space<vmem>> -> memref<128xi32, #tpu.memory_space<vmem>>
        %dma_wait3A_317 = arith.constant 0 : i32
        %dma_wait3A_318 = arith.constant 0 : i32
        %dma_wait3A_319 = tpu.memref_slice %arg9[%dma_wait3A_317, %dma_wait3A_318] : memref<10240x128xf32, #tpu.memory_space<vmem_shared>> -> memref<10240x128xf32, #tpu.memory_space<vmem_shared>>
        tpu.wait_indirect_dma semaphore(%run_scoped3A_299 : memref<!tpu.dma_semaphore, #tpu.memory_space<semaphore_mem>>) src(%dma_wait3A_313 : memref<128x128xf32, #tpu.memory_space<vmem>>) dst(%dma_wait3A_319 : memref<10240x128xf32, #tpu.memory_space<vmem_shared>>)
        tpu.yield
      }) : () -> ()
      %add3A_291 = arith.constant 4 : i32
      %add3A_292 = arith.addi %add3A_260, %add3A_291 : i32
      %lt3A_293 = arith.constant 80 : i32
      %lt3A_294 = arith.cmpi slt, %add3A_292, %lt3A_293 : i32
      %convert_element_type3A_295 = arith.extui %lt3A_294 : i1 to i32
      %cond3A_296 = arith.constant 0 : i32
      %cond3A_297 = arith.cmpi ne, %convert_element_type3A_295, %cond3A_296 : i32
      scf.if %cond3A_297 {
        %add3A_299 = arith.constant 4 : i32
        %add3A_300 = arith.addi %add3A_260, %add3A_299 : i32
        %dma_start3A_301 = arith.constant 3 : i32
        %dma_start3A_302 = arith.constant 3 : i32
        %dma_start3A_303 = arith.constant 0 : i32
        %dma_start3A_304 = arith.constant 0 : i32
        %dma_start3A_305 = tpu.memref_slice %arg5[%dma_start3A_301, %dma_start3A_303, %dma_start3A_304] : memref<4x2x128xi32, #tpu.memory_space<vmem>> -> memref<1x2x128xi32, #tpu.memory_space<vmem>>
        %dma_start3A_306 = tpu.memref_squeeze %dma_start3A_305 : memref<1x2x128xi32, #tpu.memory_space<vmem>> -> memref<2x128xi32, #tpu.memory_space<vmem>>
        %dma_start3A_307 = arith.constant 0 : i32
        %dma_start3A_308 = arith.constant 0 : i32
        %dma_start3A_309 = tpu.memref_slice %arg3[%add3A, %add3A_300, %dma_start3A_307, %dma_start3A_308] : memref<32x80x2x128xi32, #tpu.memory_space<hbm>> -> memref<1x1x2x128xi32, #tpu.memory_space<hbm>>
        %dma_start3A_310 = tpu.memref_squeeze %dma_start3A_309 : memref<1x1x2x128xi32, #tpu.memory_space<hbm>> -> memref<2x128xi32, #tpu.memory_space<hbm>>
        %dma_start3A_311 = tpu.memref_slice %arg7[%dma_start3A_302] : memref<4x!tpu.dma_semaphore, #tpu.memory_space<semaphore_mem>> -> memref<1x!tpu.dma_semaphore, #tpu.memory_space<semaphore_mem>>
        %dma_start3A_312 = tpu.memref_squeeze %dma_start3A_311 : memref<1x!tpu.dma_semaphore, #tpu.memory_space<semaphore_mem>> -> memref<!tpu.dma_semaphore, #tpu.memory_space<semaphore_mem>>
        %dma_start3A_313 = arith.constant 0 : i32
        %dma_start3A_314 = arith.constant 0 : i32
        %dma_start3A_315 = tpu.memref_slice %arg5[%dma_start3A_301, %dma_start3A_313, %dma_start3A_314] : memref<4x2x128xi32, #tpu.memory_space<vmem>> -> memref<1x2x128xi32, #tpu.memory_space<vmem>>
        %dma_start3A_316 = tpu.memref_squeeze %dma_start3A_315 : memref<1x2x128xi32, #tpu.memory_space<vmem>> -> memref<2x128xi32, #tpu.memory_space<vmem>>
        %dma_start3A_317 = arith.constant 0 : i32
        %dma_start3A_318 = arith.constant 0 : i32
        %dma_start3A_319 = tpu.memref_slice %arg3[%add3A, %add3A_300, %dma_start3A_317, %dma_start3A_318] : memref<32x80x2x128xi32, #tpu.memory_space<hbm>> -> memref<1x1x2x128xi32, #tpu.memory_space<hbm>>
        %dma_start3A_320 = tpu.memref_squeeze %dma_start3A_319 : memref<1x1x2x128xi32, #tpu.memory_space<hbm>> -> memref<2x128xi32, #tpu.memory_space<hbm>>
        tpu.enqueue_dma source(%dma_start3A_320 : memref<2x128xi32, #tpu.memory_space<hbm>>) target(%dma_start3A_316 : memref<2x128xi32, #tpu.memory_space<vmem>>) target_semaphore(%dma_start3A_312 : memref<!tpu.dma_semaphore, #tpu.memory_space<semaphore_mem>>)
      } else {
      }
      %scan3A_298 = arith.constant 0 : i32
      scf.yield %scan3A_298 : i32
    }
    %scan3A_141 = arith.constant 20 : i32
    %barrier3A_142 = arith.constant 0 : index
    tpu.barrier barrier_id(%barrier3A_142)
    "tpu.region"() ({
      %run_scoped3A = tpu.sem_alloc : memref<!tpu.dma_semaphore, #tpu.memory_space<semaphore_mem>>
      %dma_start3A_143 = arith.constant 0 : i32
      %dma_start3A_144 = tpu.memref_slice %arg4[%arg0, %mul3A_8, %dma_start3A_143] : memref<2x10240x128xf32, #tpu.memory_space<hbm>> -> memref<1x640x128xf32, #tpu.memory_space<hbm>>
      %dma_start3A_145 = tpu.memref_squeeze %dma_start3A_144 : memref<1x640x128xf32, #tpu.memory_space<hbm>> -> memref<640x128xf32, #tpu.memory_space<hbm>>
      %dma_start3A_146 = arith.constant 0 : i32
      %dma_start3A_147 = tpu.memref_slice %arg9[%mul3A_8, %dma_start3A_146] : memref<10240x128xf32, #tpu.memory_space<vmem_shared>> -> memref<640x128xf32, #tpu.memory_space<vmem_shared>>
      tpu.enqueue_dma source(%dma_start3A_147 : memref<640x128xf32, #tpu.memory_space<vmem_shared>>) target(%dma_start3A_145 : memref<640x128xf32, #tpu.memory_space<hbm>>) target_semaphore(%run_scoped3A : memref<!tpu.dma_semaphore, #tpu.memory_space<semaphore_mem>>)
      %dma_wait3A_148 = arith.constant 0 : i32
      %dma_wait3A_149 = tpu.memref_slice %arg4[%arg0, %mul3A_8, %dma_wait3A_148] : memref<2x10240x128xf32, #tpu.memory_space<hbm>> -> memref<1x640x128xf32, #tpu.memory_space<hbm>>
      %dma_wait3A_150 = tpu.memref_squeeze %dma_wait3A_149 : memref<1x640x128xf32, #tpu.memory_space<hbm>> -> memref<640x128xf32, #tpu.memory_space<hbm>>
      %dma_wait3A_151 = arith.constant 0 : i32
      %dma_wait3A_152 = tpu.memref_slice %arg9[%mul3A_8, %dma_wait3A_151] : memref<10240x128xf32, #tpu.memory_space<vmem_shared>> -> memref<640x128xf32, #tpu.memory_space<vmem_shared>>
      tpu.wait_dma2 semaphore(%run_scoped3A : memref<!tpu.dma_semaphore, #tpu.memory_space<semaphore_mem>>) src(%dma_wait3A_152 : memref<640x128xf32, #tpu.memory_space<vmem_shared>>) dst(%dma_wait3A_150 : memref<640x128xf32, #tpu.memory_space<hbm>>)
      tpu.yield
    }) : () -> ()
    return
  }
}

module attributes {stable_mosaic.version = 14 : i64} {
  func.func @_scale_body(%arg0: i32, %arg1: memref<1024x128xf32, #tpu.memory_space<vmem>>, %arg2: memref<128x128xf32, #tpu.memory_space<vmem>>, %arg3: memref<32x1024xf32, #tpu.memory_space<vmem>>, %arg4: memref<1024x128xf32, #tpu.memory_space<vmem>>) attributes {dimension_semantics = [#tpu.dimension_semantics<arbitrary>], iteration_bounds = array<i64: 10>, scalar_prefetch = 0 : i64, scratch_operands = 0 : i64, tpu.core_type = #tpu.core_type<tc>, window_params = [{transform_indices = @transform_0, window_bounds = array<i64: 1024, 128>}, {pipeline_mode = #tpu.pipeline_mode<synchronous>, transform_indices = @transform_1, window_bounds = array<i64: 128, 128>}, {transform_indices = @transform_2, window_bounds = array<i64: 32, 1024>}, {transform_indices = @transform_3, window_bounds = array<i64: 1024, 128>}]} {
    %get3A = arith.constant 0 : index
    %get3A_0 = arith.constant 0 : index
    %get3A_1 = vector.load %arg1[%get3A, %get3A_0] : memref<1024x128xf32, #tpu.memory_space<vmem>>, vector<1024x128xf32>
    %get3A_2 = arith.constant 0 : index
    %get3A_3 = arith.constant 0 : index
    %get3A_4 = vector.load %arg2[%get3A_2, %get3A_3] : memref<128x128xf32, #tpu.memory_space<vmem>>, vector<128x128xf32>
    %dot_general3A = arith.constant dense<0.000000e+00> : vector<1024x128xf32>
    %dot_general3A_5 = tpu.matmul %get3A_1, %get3A_4, %dot_general3A {dimension_numbers = #tpu.dot_dimension_numbers<[1], [0], [0], [1], [0, 0, 1, 1], [], []>, transpose_lhs_hint = false} : vector<1024x128xf32>, vector<128x128xf32>, vector<1024x128xf32> -> vector<1024x128xf32>
    %get3A_6 = arith.constant 0 : index
    %get3A_7 = arith.constant 0 : index
    %get3A_8 = vector.load %arg3[%get3A_6, %get3A_7] : memref<32x1024xf32, #tpu.memory_space<vmem>>, vector<32x1024xf32>
    %reduce_sum3A = arith.constant dense<0.000000e+00> : vector<1024xf32>
    %reduce_sum3A_9 = vector.multi_reduction <add>, %get3A_8, %reduce_sum3A [0] : vector<32x1024xf32> to vector<1024xf32>
    %add3A = arith.constant 2.000000e+00 : f32
    %add3A_10 = vector.broadcast %add3A : f32 to vector<1024xf32>
    %add3A_11 = arith.addf %reduce_sum3A_9, %add3A_10 : vector<1024xf32>
    %rsqrt3A = math.rsqrt %add3A_11 : vector<1024xf32>
    %broadcast_in_dim3A = vector.shape_cast %rsqrt3A : vector<1024xf32> to vector<1024x1xf32>
    %mul3A = vector.broadcast %broadcast_in_dim3A : vector<1024x1xf32> to vector<1024x128xf32>
    %mul3A_12 = arith.mulf %mul3A, %dot_general3A_5 : vector<1024x128xf32>
    %swap3A = arith.constant 0 : index
    %swap3A_13 = arith.constant 0 : index
    %swap3A_14 = vector.load %arg4[%swap3A, %swap3A_13] : memref<1024x128xf32, #tpu.memory_space<vmem>>, vector<1024x128xf32>
    tpu.vector_store %arg4[%swap3A, %swap3A_13], %mul3A_12 {strides = array<i32>} : memref<1024x128xf32, #tpu.memory_space<vmem>>, vector<1024x128xf32>,
    return
  }
  func.func @transform_0(%arg0: i32) -> (i32, i32) {
    %c0_i32 = arith.constant 0 : i32
    %c0_i32_0 = arith.constant 0 : i32
    return %arg0, %c0_i32 : i32, i32
  }
  func.func @transform_1(%arg0: i32) -> (i32, i32) {
    %c0_i32 = arith.constant 0 : i32
    %c0_i32_0 = arith.constant 0 : i32
    %c0_i32_1 = arith.constant 0 : i32
    return %c0_i32, %c0_i32_0 : i32, i32
  }
  func.func @transform_2(%arg0: i32) -> (i32, i32) {
    %c0_i32 = arith.constant 0 : i32
    %c0_i32_0 = arith.constant 0 : i32
    return %c0_i32, %arg0 : i32, i32
  }
  func.func @transform_3(%arg0: i32) -> (i32, i32) {
    %c0_i32 = arith.constant 0 : i32
    %c0_i32_0 = arith.constant 0 : i32
    return %arg0, %c0_i32 : i32, i32
  }
}

module attributes {stable_mosaic.version = 14 : i64} {
  func.func @_final_body(%arg0: i32, %arg1: memref<2x1024x128xf32, #tpu.memory_space<vmem>>, %arg2: memref<1024x128xf32, #tpu.memory_space<vmem>>, %arg3: memref<32x1024xf32, #tpu.memory_space<vmem>>, %arg4: memref<1x128xf32, #tpu.memory_space<vmem>>, %arg5: memref<1024x128xf32, #tpu.memory_space<vmem>>) attributes {dimension_semantics = [#tpu.dimension_semantics<arbitrary>], iteration_bounds = array<i64: 10>, scalar_prefetch = 0 : i64, scratch_operands = 0 : i64, tpu.core_type = #tpu.core_type<tc>, window_params = [{transform_indices = @transform_0, window_bounds = array<i64: 2, 1024, 128>}, {transform_indices = @transform_1, window_bounds = array<i64: 1024, 128>}, {transform_indices = @transform_2, window_bounds = array<i64: 32, 1024>}, {pipeline_mode = #tpu.pipeline_mode<synchronous>, transform_indices = @transform_3, window_bounds = array<i64: 1, 128>}, {transform_indices = @transform_4, window_bounds = array<i64: 1024, 128>}]} {
    %get3A = arith.constant 0 : index
    %get3A_0 = arith.constant 0 : index
    %get3A_1 = vector.load %arg3[%get3A, %get3A_0] : memref<32x1024xf32, #tpu.memory_space<vmem>>, vector<32x1024xf32>
    %reduce_sum3A = arith.constant dense<0.000000e+00> : vector<1024xf32>
    %reduce_sum3A_2 = vector.multi_reduction <add>, %get3A_1, %reduce_sum3A [0] : vector<32x1024xf32> to vector<1024xf32>
    %add3A = arith.constant 2.000000e+00 : f32
    %add3A_3 = vector.broadcast %add3A : f32 to vector<1024xf32>
    %add3A_4 = arith.addf %reduce_sum3A_2, %add3A_3 : vector<1024xf32>
    %rsqrt3A = math.rsqrt %add3A_4 : vector<1024xf32>
    %broadcast_in_dim3A = vector.shape_cast %rsqrt3A : vector<1024xf32> to vector<1024x1xf32>
    %get3A_5 = arith.constant 0 : index
    %get3A_6 = arith.constant 0 : index
    %get3A_7 = arith.constant 0 : index
    %get3A_8 = vector.load %arg1[%get3A_5, %get3A_6, %get3A_7] : memref<2x1024x128xf32, #tpu.memory_space<vmem>>, vector<1x1024x128xf32>
    %get3A_9 = vector.shape_cast %get3A_8 : vector<1x1024x128xf32> to vector<1024x128xf32>
    %get3A_10 = arith.constant 1 : index
    %get3A_11 = arith.constant 0 : index
    %get3A_12 = arith.constant 0 : index
    %get3A_13 = vector.load %arg1[%get3A_10, %get3A_11, %get3A_12] : memref<2x1024x128xf32, #tpu.memory_space<vmem>>, vector<1x1024x128xf32>
    %get3A_14 = vector.shape_cast %get3A_13 : vector<1x1024x128xf32> to vector<1024x128xf32>
    %add3A_15 = arith.addf %get3A_9, %get3A_14 : vector<1024x128xf32>
    %get3A_16 = arith.constant 0 : index
    %get3A_17 = arith.constant 0 : index
    %get3A_18 = vector.load %arg2[%get3A_16, %get3A_17] : memref<1024x128xf32, #tpu.memory_space<vmem>>, vector<1024x128xf32>
    %mul3A = arith.constant 2.000000e+00 : f32
    %mul3A_19 = vector.broadcast %mul3A : f32 to vector<1024x128xf32>
    %mul3A_20 = arith.mulf %mul3A_19, %get3A_18 : vector<1024x128xf32>
    %add3A_21 = arith.addf %add3A_15, %mul3A_20 : vector<1024x128xf32>
    %mul3A_22 = vector.broadcast %broadcast_in_dim3A : vector<1024x1xf32> to vector<1024x128xf32>
    %mul3A_23 = arith.mulf %mul3A_22, %add3A_21 : vector<1024x128xf32>
    %get3A_24 = arith.constant 0 : index
    %get3A_25 = arith.constant 0 : index
    %get3A_26 = vector.load %arg4[%get3A_24, %get3A_25] : memref<1x128xf32, #tpu.memory_space<vmem>>, vector<1x128xf32>
    %add3A_27 = vector.broadcast %get3A_26 : vector<1x128xf32> to vector<1024x128xf32>
    %add3A_28 = arith.addf %mul3A_23, %add3A_27 : vector<1024x128xf32>
    %swap3A = arith.constant 0 : index
    %swap3A_29 = arith.constant 0 : index
    %swap3A_30 = vector.load %arg5[%swap3A, %swap3A_29] : memref<1024x128xf32, #tpu.memory_space<vmem>>, vector<1024x128xf32>
    tpu.vector_store %arg5[%swap3A, %swap3A_29], %add3A_28 {strides = array<i32>} : memref<1024x128xf32, #tpu.memory_space<vmem>>, vector<1024x128xf32>,
    return
  }
  func.func @transform_0(%arg0: i32) -> (i32, i32, i32) {
    %c0_i32 = arith.constant 0 : i32
    %c0_i32_0 = arith.constant 0 : i32
    %c0_i32_1 = arith.constant 0 : i32
    return %c0_i32, %arg0, %c0_i32_0 : i32, i32, i32
  }
  func.func @transform_1(%arg0: i32) -> (i32, i32) {
    %c0_i32 = arith.constant 0 : i32
    %c0_i32_0 = arith.constant 0 : i32
    return %arg0, %c0_i32 : i32, i32
  }
  func.func @transform_2(%arg0: i32) -> (i32, i32) {
    %c0_i32 = arith.constant 0 : i32
    %c0_i32_0 = arith.constant 0 : i32
    return %c0_i32, %arg0 : i32, i32
  }
  func.func @transform_3(%arg0: i32) -> (i32, i32) {
    %c0_i32 = arith.constant 0 : i32
    %c0_i32_0 = arith.constant 0 : i32
    %c0_i32_1 = arith.constant 0 : i32
    return %c0_i32, %c0_i32_0 : i32, i32
  }
  func.func @transform_4(%arg0: i32) -> (i32, i32) {
    %c0_i32 = arith.constant 0 : i32
    %c0_i32_0 = arith.constant 0 : i32
    return %arg0, %c0_i32 : i32, i32
  }
}

</mosaic_0001>

<sc_bundles>
// kernel: kernel.6.cloned.1.call-start
scs
__scs_entry_jumppad:
0x0: {  	(pc) =	sbr.rel $0x88, $3  }
0x1: {  	(tag) =	ssettag $0x0;
	lr =	simm.s32 $0x1  }
0x2: {  	[smem:$0x3F9D] =	sst lr;
	_ =	strace $0xD0000000  }
0x3: {  	_ = 	snop  }
0x4: {  	_ = 	snop  }
0x5: {  	_ = 	snop  }
0x6: {  	_ = 	snop  }
0x7: {  	_ = 	snop  }
__scs_overlays_trampoline_lowered:
0x8: {  	[smem:$0x3FAC] =	sst s0  }
0x9: {  	[smem:$0x3FAD] =	sst s1  }
0xa: {  	[smem:$0x3FAE] =	sst s2  }
0xb: {  	[smem:$0x3FAF] =	sst s3  }
0xc: {  	[smem:$0x3FB0] =	sst s4  }
0xd: {  	[smem:$0x3FB1] =	sst s5  }
0xe: {  	[smem:$0x3FB2] =	sst s6  }
0xf: {  	[smem:$0x3FB3] =	sst s7  }
0x10: {  	[smem:$0x3FB4] =	sst s8  }
0x11: {  	[smem:$0x3FB5] =	sst s9;
	s0 =	simm.s32 @!p0 $0x0  }
0x12: {  	s1 =	sld [smem:$0x3F9B];
	s0 =	simm.s32 @p0 $0x1  }
0x13: {  	[smem:$0x3FB6] =	sst s0;
	s0 =	simm.s32 @!p1 $0x0  }
0x14: {  	s2 =	sld [smem:$0x3F9A];
	s0 =	simm.s32 @p1 $0x1  }
0x15: {  	[smem:$0x3FB7] =	sst s0;
	s0 =	simm.s32 @!p2 $0x0  }
0x16: {  	s3 =	sld [smem:$0x3FDB];
	s0 =	simm.s32 @p2 $0x1  }
0x17: {  	s4 =	simm.s32 $0x1BF5;
	[smem:$0x3FB9] =	sst s0  }
0x18: {  	s0 =	sld [smem:$0x3F9C];
	_ =	swait.ge [sflag:s4], $0x0  }
0x19: {  	s7 =	sld [smem:$0x3F9D]  }
0x1a: {  	s8 =	sadd.s32 $0xFFFFE003, lr  }
0x1b: {  	s9 =	sadd.s32 $0xFFFFFEF7, lr;
	s5 =	simm.s32 $0xFFFFFFFF;
	p2 =	slt.u32 s8, $0xFFFFF086  }
0x1c: {  	p1 =	slt.u32 s9, $0xF7A;
	s5 =	simm.s32 @!p2 $0x0  }
0x1d: {  	s5 =	simm.s32 @p1 $0x1;
	p0 =	seq.s32 s7, s2  }
0x1e: {  	s7 =	smul.u32 @!p0 $0xF7A, s2;
	p2 =	seq.s32 @!p0 s5, $0x0  }
0x1f: {  	s9 =	smul.u32 $0xF7A, s1;
	s8 =	simm.s32 @!p0 $0x1BF5;
	p2 =	por !p2, p0  }
0x20: {  	[sflag:s8] =	ssyncset.s32 @!p0 $0xFFFFF086;
	s6 =	sadd.s32 @!p0 s3, s7;
	s7 =	simm.s32 @!p0 $0x108  }
0x21: {  	s3 =	sadd.s32 s3, s9;
	s6 =	sadd.s32 @!p0 $0x88, s6;
	s7 =	simm.s32 @p2 $0x1082  }
0x22: {  	[simem:s7], [sflag:s8] =	dma.local @!p0 [hbm:s6], $0xF7A  }
0x23: {  	s9 =	sor.u32 $0xD0000000, s2;
	s6 =	simm.s32 $0x108;
	_ =	swait.ge @!p0 [sflag:s8], $0x0  }
0x24: {  	s3 =	sadd.s32 $0x88, s3;
	s6 =	simm.s32 @!p1 $0x1082;
	[sflag:s4] =	ssyncset.s32 $0xFFFFF086  }
0x25: {  	[simem:s6], [sflag:s4] =	dma.local [hbm:s3], $0xF7A  }
0x26: {  	[smem:$0x3F9D] =	sst s1;
	(tag) =	ssettag s2;
	_ =	strace s9  }
0x27: {  	s1 =	sld [smem:$0x3FAD]  }
0x28: {  	s2 =	sld [smem:$0x3FAE]  }
0x29: {  	s4 =	sld [smem:$0x3FB0]  }
0x2a: {  	p0 =	seq.s32 s5, $0x0;
	s5 =	sld [smem:$0x3FB1]  }
0x2b: {  	s6 =	sld [smem:$0x3FB2]  }
0x2c: {  	s7 =	sld [smem:$0x3FB3]  }
0x2d: {  	s3 =	simm.s32 $0x108;
	s8 =	sld [smem:$0x3FB4]  }
0x2e: {  	s3 =	simm.s32 @!p0 $0x1082;
	s9 =	sld [smem:$0x3FB5]  }
0x2f: {  	lr =	sadd.s32 s0, s3;
	s0 =	sld [smem:$0x3FAC]  }
0x30: {  	s3 =	sld [smem:$0x3FAF]  }
0x31: {  	[smem:$0x3FB8] =	sst s10  }
0x32: {  	s10 =	sld [smem:$0x3FB6];
	_ =	sdelay $0x3  }
0x33: {  	p0 =	seq.s32 s10, $0x1;
	s10 =	sld [smem:$0x3FB8];
	_ =	sdelay $0x3  }
0x34: {  	[smem:$0x3FB8] =	sst s10  }
0x35: {  	s10 =	sld [smem:$0x3FB7];
	_ =	sdelay $0x3  }
0x36: {  	p1 =	seq.s32 s10, $0x1;
	s10 =	sld [smem:$0x3FB8];
	_ =	sdelay $0x3  }
0x37: {  	[smem:$0x3FB8] =	sst s10  }
0x38: {  	s10 =	sld [smem:$0x3FB9]  }
0x39: {  	_ = 	snop;
	(pc) =	sbr.ind lr, $3  }
0x3a: {  	_ = 	snop  }
0x3b: {  	_ = 	snop  }
0x3c: {  	p2 =	seq.s32 s10, $0x1;
	s10 =	sld [smem:$0x3FB8]  }
0x3d: {  	_ =	shalt  }
0x3e: {  	_ =	shalt  }
0x3f: {  	_ =	shalt  }
0x40: {  	_ =	shalt  }
0x41: {  	_ =	shalt  }
0x42: {  	_ =	shalt  }
0x43: {  	_ =	shalt  }
0x44: {  	_ =	shalt  }
0x45: {  	_ =	shalt  }
0x46: {  	_ =	shalt  }
0x47: {  	_ =	shalt  }
0x48: {  	_ =	shalt  }
0x49: {  	_ =	shalt  }
0x4a: {  	_ =	shalt  }
0x4b: {  	_ =	shalt  }
0x4c: {  	_ =	shalt  }
0x4d: {  	_ =	shalt  }
0x4e: {  	_ =	shalt  }
0x4f: {  	_ =	shalt  }
0x50: {  	_ =	shalt  }
0x51: {  	_ =	shalt  }
0x52: {  	_ =	shalt  }
0x53: {  	_ =	shalt  }
0x54: {  	_ =	shalt  }
0x55: {  	_ =	shalt  }
0x56: {  	_ =	shalt  }
0x57: {  	_ =	shalt  }
0x58: {  	_ =	shalt  }
0x59: {  	_ =	shalt  }
0x5a: {  	_ =	shalt  }
0x5b: {  	_ =	shalt  }
0x5c: {  	_ =	shalt  }
0x5d: {  	_ =	shalt  }
0x5e: {  	_ =	shalt  }
0x5f: {  	_ =	shalt  }
0x60: {  	_ =	shalt  }
0x61: {  	_ =	shalt  }
0x62: {  	_ =	shalt  }
0x63: {  	_ =	shalt  }
0x64: {  	_ =	shalt  }
0x65: {  	_ =	shalt  }
0x66: {  	_ =	shalt  }
0x67: {  	_ =	shalt  }
0x68: {  	_ =	shalt  }
0x69: {  	_ =	shalt  }
0x6a: {  	_ =	shalt  }
0x6b: {  	_ =	shalt  }
0x6c: {  	_ =	shalt  }
0x6d: {  	_ =	shalt  }
0x6e: {  	_ =	shalt  }
0x6f: {  	_ =	shalt  }
0x70: {  	_ =	shalt  }
0x71: {  	_ =	shalt  }
0x72: {  	_ =	shalt  }
0x73: {  	_ =	shalt  }
0x74: {  	_ =	shalt  }
0x75: {  	_ =	shalt  }
0x76: {  	_ =	shalt  }
0x77: {  	_ =	shalt  }
0x78: {  	_ =	shalt  }
0x79: {  	_ =	shalt  }
0x7a: {  	_ =	shalt  }
0x7b: {  	_ =	shalt  }
0x7c: {  	_ =	shalt  }
0x7d: {  	_ =	shalt  }
0x7e: {  	_ =	shalt  }
0x7f: {  	_ =	shalt  }
0x80: {  	_ =	shalt  }
0x81: {  	_ =	shalt  }
0x82: {  	_ =	shalt  }
0x83: {  	_ =	shalt  }
0x84: {  	_ =	shalt  }
0x85: {  	_ =	shalt  }
0x86: {  	_ =	shalt  }
0x87: {  	_ =	shalt  }
.Lfunc_end0:
.L_simem_size_0:
called_computation_lowered:
.L_overlay_start_0:
0x88: {  	s2 =	sld [smem:$0x3FD9]  }
0x89: {  	s3 =	sld [smem:$0x3FFE];
	_ =	sdelay $0x1  }
0x8a: {  	s1 =	srdreg.scid  }
0x8b: {  	s0 =	sand.u32 $0x1, s1  }
0x8c: {  	s16 =	sshll.u32 s0, $0xA;
	s2 =	sadd.s32 s3, s2  }
0x8d: {  	s2 =	sadd.s32 s2, s16  }
0x8e: {  	[smem:$0x3FC4] =	sst s2  }
0x8f: {  	_ = 	snop  }
0x90: {  	(tm) =	ssettm $0x1  }
0x91: {  	s17 =	sld [smem:$0x3FFB];
	_ =	sdelay $0x3  }
0x92: {  	_ =	strace s17  }
0x93: {  	s2 =	sld [smem:$0x3FFC];
	_ =	sdelay $0x3  }
0x94: {  	_ =	strace s2  }
0x95: {  	s2 =	sld [smem:$0x3FFD];
	_ =	sdelay $0x3  }
0x96: {  	_ =	strace s2  }
0x97: {  	_ =	strace $0x8FFFFFFF  }
0x98: {  	s18 =	sld [smem:$0x3FDB];
	_ =	sdelay $0x1  }
0x99: {  	s19 =	simm.s32 $_scs_section_size  }
0x9a: {  	s4 =	simm.s32 $_size__tile_overlayer_lowered;
	s5 =	simm.s32 $_tile_overlayer_lowered  }
0x9b: {  	s22 =	simm.s32 $0x1BFF;
	s21 =	sshll.u32 s5, $0x1;
	s2 =	sadd.s32 s19, s18  }
0x9c: {  	s6 =	simm.s32 $0x0;
	s20 =	sshll.u32 s4, $0x1;
	s4 =	sadd.s32 s21, s2  }
0x9d: {  	[timem:s6], [sflag:s22] =	dma.local [hbm:s4], s20  }
0x9e: {  	_ =	swait.ge [sflag:s22], s20  }
0x9f: {  	s3 =	ssub.s32 $0x0, s20;
	[sflag:s22] =	ssyncset.done $0x0  }
0xa0: {  	[sflag:s22] =	ssyncadd.s32 s3;
	_ =	sdelay $0x1  }
0xa1: {  	s23 =	simm.s32 $0x1B8B  }
0xa2: {  	_ =	swait.ge [sflag:s23], $0x1  }
0xa3: {  	[sflag:s23] =	ssyncset.done $0x0  }
0xa4: {  	s25 =	simm.s32 $0x1B8E;
	s24 =	sld [smem:$0x3FFE];
	[sflag:s23] =	ssyncadd.s32 $0xFFFFFFFF  }
0xa5: {  	s26 =	simm.s32 $execute0_lowered;
	[smem:$0x3FD2] =	sst s25  }
0xa6: {  	s4 =	sshll.u32 s26, $0x1;
	_ =	strace $0x80000046;
	[dreg:$0x1] =	wrdreg $0xFFFFFFFF  }
0xa7: {  	s28 =	simm.s32 $_size_execute0_lowered;
	s2 =	sadd.s32 s2, s4;
	[dreg:$0x0] =	wrdreg $0x0  }
0xa8: {  	s4 =	sshll.u32 s28, $0x1;
	[dreg:$0x2] =	wrdreg s2  }
0xa9: {  	[dreg:$0x3] =	wrdreg s4  }
0xaa: {  	[dreg:$0x4] =	wrdreg $0xC0  }
0xab: {  	_ =	task [dreg:s6], $0x5FFFF  }
0xac: {  	[dreg:$0x1] =	wrdreg $0xFFFFFFFF  }
0xad: {  	[dreg:$0x0] =	wrdreg $0x60  }
0xae: {  	[dreg:$0x2] =	wrdreg s24  }
0xaf: {  	[dreg:$0x3] =	wrdreg $0x9  }
0xb0: {  	_ =	task.clear_ibuf [dreg:s6], $0x4FFFF;
	_ =	strace $0x90000046  }
0xb1: {  	s29 =	simm.s32 $0x9;
	_ =	strace $0x80000048  }
0xb2: {  	_ =	swait.ge [sflag:s29], $0x1  }
0xb3: {  	[sflag:s29] =	ssyncadd.s32 $0xFFFFFFFF  }
0xb4: {  	_ =	strace $0x90000048  }
0xb5: {  	_ =	sfence  }
0xb6: {  	s30 =	sld [smem:$0x0];
	_ =	sdelay $0x2  }
0xb7: {  	s31 =	sshll.u32 s1, $0xD;
	s1 =	sshrl.u32 s1, $0x2  }
0xb8: {  	s3 =	sand.u32 $0x4000, s31;
	s1 =	sadd.s32 s1, s30  }
0xb9: {  	s0 =	sor.u32 s3, s0;
	s1 =	sshll.u32 s1, $0x11  }
0xba: {  	s0 =	sor.u32 s1, s0  }
0xbb: {  	s0 =	sadd.s32 $0x8F2B, s0  }
0xbc: {  	[sflag:s0] =	ssyncadd.remote.s32 $0x1  }
0xbd: {  	_ =	sfence.sel $0xFFFF  }
0xbe: {  	[dreg:$0x0] =	wrdreg $0xFFFFFFFF;
	(pc) =	sbr.abs _section_cstart, $3  }
0xbf: {  	[dreg:$0x1] =	wrdreg $0xFFFFFFFF  }
0xc0: {  	_ =	task.clear_ibuf [dreg:s6], $0x2FFFF;
	_ =	strace $0x9FFFFFFF  }
0xc1: {  	(tm) =	ssettm $0x7FFFFFFF  }
tec
execute0_lowered:
.L_overlay_start_1:
0x0: {  	(tag) =	ssettag $0x1  }
0x1: {  	s1 =	srdreg.scid  }
0x2: {  	s0 =	stileid.u32;
	s5 =	rddreg [dreg:$0x0]  }
0x3: {  	s2 =	simm.s32 $0x0;
	s8 =	simm.s32 $0x1;
	s9 =	simm.s32 $0x2780  }
0x4: {  	s10 =	simm.s32 $0x0;
	s3 =	sand.u32 $0x1, s1;
	s29 =	sshll.u32 s0, $0x1  }
0x5: {  	s30 =	sshrl.u32 s0, $0x2;
	s1 =	rddreg [dreg:$0x1];
	s4 =	sor.u32 s3, s29  }
0x6: {  	[smem:$0x7FF] =	sst s2;
	s6 =	smul.u32 $0x13C00, s30;
	s7 =	sshll.u32 s4, $0x7  }
0x7: {  	s3 =	ssub.s32 $0x2, s3;
	s4 =	smul.u32 $0x500, s4;
	s7 =	sand.u32 $0x380, s7  }
0x8: {  	_ =	strace $0x80000047;
	s31 =	sshrl.u32 s3, $0x1;
	s6 =	sor.u32 s6, s7  }
0x9: {  	s4 =	sadd.s32 s4, s5;
	s7 =	simm.s32 $0x400;
	s6 =	sshrl.u32 s6, $0x3  }
0xa: {  	s4 =	sadd.s32 $0xB000, s4;
	s6 =	sadd.s32 s6, s5;
	s5 =	ssub.s32 s3, s31  }
0xb: {  	v0 =	vimm.f32 $0.0e+00;
	v1 =	vimm.f32 $1.000000000e+00;
	s3 =	sadd.s32 $0x1200, s6;
	s5 =	smax.u32 s5, $0x1;
	s6 =	simm.s32 $0x80  }
.LBB2_1:
0xc: {  	[tilespmem:s2], [sflag:$0x1] =	stream.strided.gather [hbm4b:s3+s6], $0x2780, s7, s6, $0x38;
	[tilespmem:$0x4F80] =	vst v63  }
0xd: {  	_ =	swait.ge [sflag:s8], $0x2780  }
0xe: {  	[sflag:s8] =	ssyncset.done $0x0  }
0xf: {  	s11 =	simm.s32 $0x0;
	s12 =	simm.s32 $0x0;
	[sflag:s8] =	ssyncadd.s32 $0xFFFFD880  }
.LBB2_2:
0x10: {  	p0 =	sne.s32 s12, $0x9FC0  }
.Ltmp0:
0x11: {  	_ = 	snop;
	(pc) =	sbr.rel @p0 .LBB2_2-.Ltmp0, $4  }
0x12: {  	s13 =	sand.u32 $0xFE00, s12  }
0x13: {  	s14 =	sand.u32 $0x70, s11;
	s13 =	sshrl.u32 s13, $0x2  }
0x14: {  	s13 =	sor.u32 s14, s13  }
0x15: {  	s11 =	sadd.s32 $0x10, s11;
	s12 =	sadd.s32 $0x40, s12;
	[tilespmem:s13+$0x2780] =	vst v0  }
0x16: {  	s12 =	simm.s32 $0x0;
	s11 =	simm.s32 $0x40  }
.LBB2_4:
0x17: {  	p0 =	sne.s32 s11, $0x9C00;
	v2 =	vld [tilespmem:s12+$0x0];
	_ =	sdelay $0x3  }
.Ltmp1:
0x18: {  	(pc) =	sbr.rel @p0 .LBB2_4-.Ltmp1, $2  }
0x19: {  	_ =	sdelay $0x2  }
0x1a: {  	s12 =	sshra.s32 s11, $0x2;
	s11 =	sadd.s32 $0x40, s11;
	[tilespmem:v2+s9+$0x0] =	vst.idx.add.f32.msk $0xffff, v1  }
0x1b: {  	v2 =	vld [tilespmem:s12+$0x0];
	_ =	sdelay $0x5  }
0x1c: {  	s10 =	sadd.s32 $0x1, s10  }
0x1d: {  	p0 =	sne.s32 s10, s5  }
.Ltmp2:
0x1e: {  	[tilespmem:v2+s9+$0x0] =	vst.idx.add.f32.msk $0xffff, v1;
	(pc) =	sbr.rel @p0 .LBB2_1-.Ltmp2, $4  }
0x1f: {  	[hbm4b:s4+s2] =	stream.linear.scatter [tilespmem:s9], [sflag:$0x1], $0x2800, $0x38;
	[tilespmem:$0x4F80] =	vst v63  }
0x20: {  	_ =	swait.ge [sflag:s8], $0x2800  }
0x21: {  	[sflag:s8] =	ssyncset.done $0x0  }
0x22: {  	[sflag:s8] =	ssyncadd.s32 $0xFFFFD800  }
0x23: {  	_ =	sfence.sel $0x180000  }
0x24: {  	[bflag:$0x0] =	sbarrier.arrive $0xFFFF  }
0x25: {  	p0 =	sne.s32 s0, $0x0;
	_ =	strace $0x90000047  }
0x26: {  	s0 =	sadd.s32 @!p0 $0x100000, s1;
	[bflag:$0x2] =	sbarrier.arrive $0xFFFF  }
0x27: {  	[sflag:s0] =	ssyncadd.tile.s32 @!p0 $0x1;
	_ =	shalt  }
.Lfunc_end2:
_tile_overlayer_lowered:
.L_overlay_start_2:
0x28: {  	(tag) =	ssettag $0x2  }
0x29: {  	s0 =	rddreg [dreg:$0x0];
	s2 =	stileid.u32  }
0x2a: {  	s1 =	rddreg [dreg:$0x1];
	p0 =	sne.s32 s2, $0x0  }
0x2b: {  	s3 =	rddreg [dreg:$0x2];
	[bflag:$0x3] =	sbarrier.arrive $0xFFFF;
	s2 =	simm.s32 @!p0 $0x1C01  }
0x2c: {  	[timem:s3], [sflag:s2] =	dma.local @!p0 [hbm:s0], s1  }
0x2d: {  	s0 =	simm.s32 @!p0 $0x1  }
0x2e: {  	_ =	swait.ge @!p0 [sflag:s0], s1  }
0x2f: {  	s1 =	ssub.s32 @!p0 $0x0, s1;
	[sflag:s0] =	ssyncset.done @!p0 $0x0  }
0x30: {  	[sflag:s0] =	ssyncadd.s32 @!p0 s1  }
0x31: {  	[bflag:$0x3] =	sbarrier.arrive $0xFFFF  }
0x32: {  	_ =	shalt  }

// kernel: kernel.9.cloned.1.call-start
scs
__scs_entry_jumppad:
0x0: {  	(pc) =	sbr.rel $0x88, $3  }
0x1: {  	(tag) =	ssettag $0x0;
	lr =	simm.s32 $0x1  }
0x2: {  	[smem:$0x3F9D] =	sst lr;
	_ =	strace $0xD0000000  }
0x3: {  	_ = 	snop  }
0x4: {  	_ = 	snop  }
0x5: {  	_ = 	snop  }
0x6: {  	_ = 	snop  }
0x7: {  	_ = 	snop  }
__scs_overlays_trampoline_lowered:
0x8: {  	[smem:$0x3FAC] =	sst s0  }
0x9: {  	[smem:$0x3FAD] =	sst s1  }
0xa: {  	[smem:$0x3FAE] =	sst s2  }
0xb: {  	[smem:$0x3FAF] =	sst s3  }
0xc: {  	[smem:$0x3FB0] =	sst s4  }
0xd: {  	[smem:$0x3FB1] =	sst s5  }
0xe: {  	[smem:$0x3FB2] =	sst s6  }
0xf: {  	[smem:$0x3FB3] =	sst s7  }
0x10: {  	[smem:$0x3FB4] =	sst s8  }
0x11: {  	[smem:$0x3FB5] =	sst s9;
	s0 =	simm.s32 @!p0 $0x0  }
0x12: {  	s1 =	sld [smem:$0x3F9B];
	s0 =	simm.s32 @p0 $0x1  }
0x13: {  	[smem:$0x3FB6] =	sst s0;
	s0 =	simm.s32 @!p1 $0x0  }
0x14: {  	s2 =	sld [smem:$0x3F9A];
	s0 =	simm.s32 @p1 $0x1  }
0x15: {  	[smem:$0x3FB7] =	sst s0;
	s0 =	simm.s32 @!p2 $0x0  }
0x16: {  	s3 =	sld [smem:$0x3FDB];
	s0 =	simm.s32 @p2 $0x1  }
0x17: {  	s4 =	simm.s32 $0x1BF5;
	[smem:$0x3FB9] =	sst s0  }
0x18: {  	s0 =	sld [smem:$0x3F9C];
	_ =	swait.ge [sflag:s4], $0x0  }
0x19: {  	s7 =	sld [smem:$0x3F9D]  }
0x1a: {  	s8 =	sadd.s32 $0xFFFFE003, lr  }
0x1b: {  	s9 =	sadd.s32 $0xFFFFFEF7, lr;
	s5 =	simm.s32 $0xFFFFFFFF;
	p2 =	slt.u32 s8, $0xFFFFF086  }
0x1c: {  	p1 =	slt.u32 s9, $0xF7A;
	s5 =	simm.s32 @!p2 $0x0  }
0x1d: {  	s5 =	simm.s32 @p1 $0x1;
	p0 =	seq.s32 s7, s2  }
0x1e: {  	s7 =	smul.u32 @!p0 $0xF7A, s2;
	p2 =	seq.s32 @!p0 s5, $0x0  }
0x1f: {  	s9 =	smul.u32 $0xF7A, s1;
	s8 =	simm.s32 @!p0 $0x1BF5;
	p2 =	por !p2, p0  }
0x20: {  	[sflag:s8] =	ssyncset.s32 @!p0 $0xFFFFF086;
	s6 =	sadd.s32 @!p0 s3, s7;
	s7 =	simm.s32 @!p0 $0x108  }
0x21: {  	s3 =	sadd.s32 s3, s9;
	s6 =	sadd.s32 @!p0 $0x88, s6;
	s7 =	simm.s32 @p2 $0x1082  }
0x22: {  	[simem:s7], [sflag:s8] =	dma.local @!p0 [hbm:s6], $0xF7A  }
0x23: {  	s9 =	sor.u32 $0xD0000000, s2;
	s6 =	simm.s32 $0x108;
	_ =	swait.ge @!p0 [sflag:s8], $0x0  }
0x24: {  	s3 =	sadd.s32 $0x88, s3;
	s6 =	simm.s32 @!p1 $0x1082;
	[sflag:s4] =	ssyncset.s32 $0xFFFFF086  }
0x25: {  	[simem:s6], [sflag:s4] =	dma.local [hbm:s3], $0xF7A  }
0x26: {  	[smem:$0x3F9D] =	sst s1;
	(tag) =	ssettag s2;
	_ =	strace s9  }
0x27: {  	s1 =	sld [smem:$0x3FAD]  }
0x28: {  	s2 =	sld [smem:$0x3FAE]  }
0x29: {  	s4 =	sld [smem:$0x3FB0]  }
0x2a: {  	p0 =	seq.s32 s5, $0x0;
	s5 =	sld [smem:$0x3FB1]  }
0x2b: {  	s6 =	sld [smem:$0x3FB2]  }
0x2c: {  	s7 =	sld [smem:$0x3FB3]  }
0x2d: {  	s3 =	simm.s32 $0x108;
	s8 =	sld [smem:$0x3FB4]  }
0x2e: {  	s3 =	simm.s32 @!p0 $0x1082;
	s9 =	sld [smem:$0x3FB5]  }
0x2f: {  	lr =	sadd.s32 s0, s3;
	s0 =	sld [smem:$0x3FAC]  }
0x30: {  	s3 =	sld [smem:$0x3FAF]  }
0x31: {  	[smem:$0x3FB8] =	sst s10  }
0x32: {  	s10 =	sld [smem:$0x3FB6];
	_ =	sdelay $0x3  }
0x33: {  	p0 =	seq.s32 s10, $0x1;
	s10 =	sld [smem:$0x3FB8];
	_ =	sdelay $0x3  }
0x34: {  	[smem:$0x3FB8] =	sst s10  }
0x35: {  	s10 =	sld [smem:$0x3FB7];
	_ =	sdelay $0x3  }
0x36: {  	p1 =	seq.s32 s10, $0x1;
	s10 =	sld [smem:$0x3FB8];
	_ =	sdelay $0x3  }
0x37: {  	[smem:$0x3FB8] =	sst s10  }
0x38: {  	s10 =	sld [smem:$0x3FB9]  }
0x39: {  	_ = 	snop;
	(pc) =	sbr.ind lr, $3  }
0x3a: {  	_ = 	snop  }
0x3b: {  	_ = 	snop  }
0x3c: {  	p2 =	seq.s32 s10, $0x1;
	s10 =	sld [smem:$0x3FB8]  }
0x3d: {  	_ =	shalt  }
0x3e: {  	_ =	shalt  }
0x3f: {  	_ =	shalt  }
0x40: {  	_ =	shalt  }
0x41: {  	_ =	shalt  }
0x42: {  	_ =	shalt  }
0x43: {  	_ =	shalt  }
0x44: {  	_ =	shalt  }
0x45: {  	_ =	shalt  }
0x46: {  	_ =	shalt  }
0x47: {  	_ =	shalt  }
0x48: {  	_ =	shalt  }
0x49: {  	_ =	shalt  }
0x4a: {  	_ =	shalt  }
0x4b: {  	_ =	shalt  }
0x4c: {  	_ =	shalt  }
0x4d: {  	_ =	shalt  }
0x4e: {  	_ =	shalt  }
0x4f: {  	_ =	shalt  }
0x50: {  	_ =	shalt  }
0x51: {  	_ =	shalt  }
0x52: {  	_ =	shalt  }
0x53: {  	_ =	shalt  }
0x54: {  	_ =	shalt  }
0x55: {  	_ =	shalt  }
0x56: {  	_ =	shalt  }
0x57: {  	_ =	shalt  }
0x58: {  	_ =	shalt  }
0x59: {  	_ =	shalt  }
0x5a: {  	_ =	shalt  }
0x5b: {  	_ =	shalt  }
0x5c: {  	_ =	shalt  }
0x5d: {  	_ =	shalt  }
0x5e: {  	_ =	shalt  }
0x5f: {  	_ =	shalt  }
0x60: {  	_ =	shalt  }
0x61: {  	_ =	shalt  }
0x62: {  	_ =	shalt  }
0x63: {  	_ =	shalt  }
0x64: {  	_ =	shalt  }
0x65: {  	_ =	shalt  }
0x66: {  	_ =	shalt  }
0x67: {  	_ =	shalt  }
0x68: {  	_ =	shalt  }
0x69: {  	_ =	shalt  }
0x6a: {  	_ =	shalt  }
0x6b: {  	_ =	shalt  }
0x6c: {  	_ =	shalt  }
0x6d: {  	_ =	shalt  }
0x6e: {  	_ =	shalt  }
0x6f: {  	_ =	shalt  }
0x70: {  	_ =	shalt  }
0x71: {  	_ =	shalt  }
0x72: {  	_ =	shalt  }
0x73: {  	_ =	shalt  }
0x74: {  	_ =	shalt  }
0x75: {  	_ =	shalt  }
0x76: {  	_ =	shalt  }
0x77: {  	_ =	shalt  }
0x78: {  	_ =	shalt  }
0x79: {  	_ =	shalt  }
0x7a: {  	_ =	shalt  }
0x7b: {  	_ =	shalt  }
0x7c: {  	_ =	shalt  }
0x7d: {  	_ =	shalt  }
0x7e: {  	_ =	shalt  }
0x7f: {  	_ =	shalt  }
0x80: {  	_ =	shalt  }
0x81: {  	_ =	shalt  }
0x82: {  	_ =	shalt  }
0x83: {  	_ =	shalt  }
0x84: {  	_ =	shalt  }
0x85: {  	_ =	shalt  }
0x86: {  	_ =	shalt  }
0x87: {  	_ =	shalt  }
.Lfunc_end0:
.L_simem_size_0:
called_computation.1_lowered:
.L_overlay_start_0:
0x88: {  	s2 =	sld [smem:$0x3FD9]  }
0x89: {  	s3 =	sld [smem:$0x3FFE];
	_ =	sdelay $0x1  }
0x8a: {  	s1 =	srdreg.scid  }
0x8b: {  	s0 =	sand.u32 $0x1, s1  }
0x8c: {  	s17 =	sshll.u32 s0, $0xA;
	s2 =	sadd.s32 s3, s2  }
0x8d: {  	s2 =	sadd.s32 s2, s17  }
0x8e: {  	[smem:$0x3FC4] =	sst s2  }
0x8f: {  	_ = 	snop  }
0x90: {  	s2 =	sld [smem:$0x3FD0];
	(tm) =	ssettm $0x1  }
0x91: {  	s18 =	sld [smem:$0x3FFB];
	_ =	sdelay $0x3  }
0x92: {  	_ =	strace s18  }
0x93: {  	s3 =	sld [smem:$0x3FFC];
	_ =	sdelay $0x3  }
0x94: {  	_ =	strace s3  }
0x95: {  	s3 =	sld [smem:$0x3FFD];
	_ =	sdelay $0x3  }
0x96: {  	_ =	strace s3  }
0x97: {  	_ =	strace $0x8FFFFFFF  }
0x98: {  	s19 =	sld [smem:$0x3FDB];
	_ =	sdelay $0x1  }
0x99: {  	s4 =	simm.s32 $_scs_section_size  }
0x9a: {  	s5 =	simm.s32 $_size__tile_overlayer_lowered;
	s6 =	simm.s32 $_tile_overlayer_lowered  }
0x9b: {  	s22 =	simm.s32 $0x1BFF;
	s21 =	sshll.u32 s6, $0x1;
	s3 =	sadd.s32 s4, s19  }
0x9c: {  	s7 =	simm.s32 $0x0;
	s20 =	sshll.u32 s5, $0x1;
	s5 =	sadd.s32 s21, s3  }
0x9d: {  	[timem:s7], [sflag:s22] =	dma.local [hbm:s5], s20  }
0x9e: {  	_ =	swait.ge [sflag:s22], s20  }
0x9f: {  	s4 =	ssub.s32 $0x0, s20;
	[sflag:s22] =	ssyncset.done $0x0  }
0xa0: {  	[sflag:s22] =	ssyncadd.s32 s4;
	_ =	sdelay $0x1  }
0xa1: {  	s23 =	simm.s32 $0x1B8B  }
0xa2: {  	_ =	swait.ge [sflag:s23], $0x1  }
0xa3: {  	[sflag:s23] =	ssyncset.done $0x0  }
0xa4: {  	s25 =	simm.s32 $0x1B8E;
	s24 =	sld [smem:$0x3FFE];
	[sflag:s23] =	ssyncadd.s32 $0xFFFFFFFF  }
0xa5: {  	s26 =	simm.s32 $execute0_lowered;
	[smem:$0x3FD2] =	sst s25  }
0xa6: {  	s5 =	sshll.u32 s26, $0x1;
	_ =	strace $0x80000049;
	[dreg:$0x1] =	wrdreg $0xFFFFFFFF  }
0xa7: {  	s28 =	simm.s32 $_size_execute0_lowered;
	s3 =	sadd.s32 s3, s5;
	[dreg:$0x0] =	wrdreg $0x0  }
0xa8: {  	s5 =	sshll.u32 s28, $0x1;
	[dreg:$0x2] =	wrdreg s3  }
0xa9: {  	[dreg:$0x3] =	wrdreg s5  }
0xaa: {  	[dreg:$0x4] =	wrdreg $0xC0  }
0xab: {  	_ =	task [dreg:s7], $0x5FFFF  }
0xac: {  	[dreg:$0x1] =	wrdreg $0xFFFFFFFF  }
0xad: {  	[dreg:$0x0] =	wrdreg $0x60  }
0xae: {  	[dreg:$0x2] =	wrdreg s24  }
0xaf: {  	[dreg:$0x3] =	wrdreg s2  }
0xb0: {  	[dreg:$0x4] =	wrdreg $0x84000  }
0xb1: {  	[dreg:$0x5] =	wrdreg $0x9  }
0xb2: {  	_ =	task.clear_ibuf [dreg:s7], $0x6FFFF;
	_ =	strace $0x90000049  }
0xb3: {  	s29 =	simm.s32 $0x9;
	_ =	strace $0x8000004B  }
0xb4: {  	_ =	swait.ge [sflag:s29], $0x1  }
0xb5: {  	[sflag:s29] =	ssyncadd.s32 $0xFFFFFFFF  }
0xb6: {  	_ =	strace $0x9000004B  }
0xb7: {  	_ =	sfence  }
0xb8: {  	s30 =	sld [smem:$0x0];
	_ =	sdelay $0x2  }
0xb9: {  	s31 =	sshll.u32 s1, $0xD;
	s1 =	sshrl.u32 s1, $0x2  }
0xba: {  	s3 =	sand.u32 $0x4000, s31;
	s1 =	sadd.s32 s1, s30  }
0xbb: {  	s0 =	sor.u32 s3, s0;
	s1 =	sshll.u32 s1, $0x11  }
0xbc: {  	s0 =	sor.u32 s1, s0  }
0xbd: {  	s0 =	sadd.s32 $0x8F2B, s0  }
0xbe: {  	[sflag:s0] =	ssyncadd.remote.s32 $0x1  }
0xbf: {  	_ =	sfence.sel $0xFFFF  }
0xc0: {  	[dreg:$0x0] =	wrdreg $0xFFFFFFFF;
	(pc) =	sbr.abs _section_cstart, $3  }
0xc1: {  	[dreg:$0x1] =	wrdreg $0xFFFFFFFF  }
0xc2: {  	_ =	task.clear_ibuf [dreg:s7], $0x2FFFF;
	_ =	strace $0x9FFFFFFF  }
0xc3: {  	(tm) =	ssettm $0x7FFFFFFF  }
tec
execute0_lowered:
.L_overlay_start_1:
0x0: {  	(tag) =	ssettag $0x1  }
0x1: {  	s0 =	rddreg [dreg:$0x0]  }
0x2: {  	s1 =	rddreg [dreg:$0x1]  }
0x3: {  	s2 =	rddreg [dreg:$0x2]  }
0x4: {  	s3 =	srdreg.scid;
	s10 =	stileid.u32  }
0x5: {  	s28 =	simm.s32 $0x100;
	s29 =	simm.s32 $0x200;
	s30 =	simm.s32 $0x300  }
0x6: {  	s7 =	sand.u32 $0x1, s3;
	s5 =	smul.u32 $0x14000, s10;
	s6 =	sshll.u32 s10, $0x1  }
0x7: {  	s8 =	smul.u32 $0x50000, s10;
	s6 =	sor.u32 s7, s6;
	s9 =	ssub.s32 $0x2, s7  }
0x8: {  	s3 =	simm.s32 $0x0;
	s6 =	smul.u32 $0x5000, s6;
	s25 =	sshrl.u32 s9, $0x1  }
0x9: {  	[smem:$0x7FF] =	sst s3;
	s8 =	sshrl.u32 s8, $0x2;
	s9 =	ssub.s32 s9, s25  }
0xa: {  	s24 =	sshrl.u32 s6, $0x3;
	s6 =	sadd.s32 s8, s2;
	s14 =	smax.u32 s9, $0x1  }
0xb: {  	_ =	strace $0x8000004A;
	[dreg:$0x8] =	wrdreg s14;
	s16 =	sadd.s32 $0x2000, s6  }
0xc: {  	s4 =	smul.u32 $0x140000, s7;
	s17 =	sadd.s32 $0x4000, s6;
	[dreg:$0x9] =	wrdreg s16  }
0xd: {  	s31 =	simm.s32 $0x1;
	s18 =	sadd.s32 $0x6000, s6;
	[dreg:$0xa] =	wrdreg s17  }
0xe: {  	s5 =	sadd.s32 s5, s4;
	s19 =	sadd.s32 $0x8000, s6;
	[dreg:$0xb] =	wrdreg s18  }
0xf: {  	s4 =	sadd.s32 $0x1200, s0;
	s20 =	sadd.s32 $0xA000, s6;
	[dreg:$0xc] =	wrdreg s19  }
0x10: {  	s5 =	sshrl.u32 s5, $0x3;
	s21 =	sadd.s32 $0xC000, s6;
	[dreg:$0xd] =	wrdreg s20  }
0x11: {  	s0 =	sadd.s32 s5, s0;
	s22 =	sadd.s32 $0xE000, s6;
	[dreg:$0xe] =	wrdreg s21  }
0x12: {  	s5 =	sadd.s32 s1, s24;
	s24 =	sadd.s32 $0x10000, s6;
	[dreg:$0xf] =	wrdreg s22  }
0x13: {  	s13 =	smul.u32 $0xA000, s10;
	s26 =	sadd.s32 $0x20, s5;
	[dreg:$0x10] =	wrdreg s24  }
0x14: {  	s10 =	simm.s32 $0x6;
	s11 =	sadd.s32 $0x40, s5;
	[dreg:$0x4] =	wrdreg s26  }
0x15: {  	s15 =	smul.u32 $0x5000, s7;
	s12 =	sadd.s32 $0x60, s5;
	[dreg:$0x5] =	wrdreg s11  }
0x16: {  	s9 =	simm.s32 $0x3;
	s0 =	sadd.s32 $0x29200, s0;
	[dreg:$0x6] =	wrdreg s12  }
0x17: {  	s14 =	simm.s32 $0x380;
	s20 =	sadd.s32 $0x12000, s6;
	[dreg:$0x7] =	wrdreg s0  }
0x18: {  	s0 =	sadd.s32 s15, s13;
	s11 =	simm.s32 $0x180;
	s12 =	simm.s32 $0x4  }
0x19: {  	s13 =	simm.s32 $0x280;
	s15 =	simm.s32 $0x0;
	s23 =	sor.u32 $0x700, s0  }
0x1a: {  	s25 =	sor.u32 $0x600, s0;
	s26 =	sor.u32 $0x500, s0;
	s0 =	sor.u32 $0x400, s0  }
.Ltmp0:
0x1b: {  	s7 =	sshrl.u32 s23, $0x3;
	s8 =	sshrl.u32 s26, $0x3;
	(pc) =	sbr.rel .LBB2_1-.Ltmp0, $4  }
0x1c: {  	s0 =	sshrl.u32 s0, $0x3;
	s26 =	simm.s32 $0x7;
	s21 =	sadd.s32 s7, s1  }
0x1d: {  	s7 =	sshrl.u32 s25, $0x3;
	s23 =	sadd.s32 s8, s1;
	s24 =	sadd.s32 s0, s1  }
0x1e: {  	s25 =	simm.s32 $0x400;
	s0 =	simm.s32 $0x80;
	s8 =	simm.s32 $0x5  }
0x1f: {  	v0 =	vimm.f32 $0.0e+00;
	s22 =	sadd.s32 s7, s1;
	s1 =	simm.s32 $0x2;
	s7 =	simm.s32 $0x4400  }
.LBB2_6:
0x20: {  	_ =	swait.ge [sflag:s10], $0x4000  }
0x21: {  	[sflag:s10] =	ssyncset.done $0x0  }
0x22: {  	[sflag:s10] =	ssyncadd.s32 $0xFFFFC000  }
0x23: {  	[spmem:s2] =	stream.indirect.scatter.add.f32 [tilespmem:s7], [sflag:$0x7], $0x80, s14, s0, $0xb8;
	[tilespmem:$0x1C400] =	vst v63  }
0x24: {  	_ =	swait.ge [sflag:s26], $0x4000  }
0x25: {  	[sflag:s26] =	ssyncset.done $0x0  }
0x26: {  	s16 =	stileid.u32;
	[sflag:s26] =	ssyncadd.s32 $0xFFFFC000  }
0x27: {  	s16 =	sshll.u32 s16, $0x6;
	[bflag:$0x0] =	sbarrier.arrive $0xFFFF  }
0x28: {  	s17 =	sshrl.u32 s6, $0x3;
	s16 =	sor.u32 $0x1C07, s16;
	s18 =	rddreg [dreg:$0x7]  }
0x29: {  	[hbm:s18], [sflag:s16] =	dma.local [spmem:s17], $0x2800  }
0x2a: {  	_ =	swait.ge [sflag:s26], $0x2800  }
0x2b: {  	s15 =	sadd.s32 $0x1, s15;
	s19 =	rddreg [dreg:$0x8]  }
0x2c: {  	p0 =	sne.s32 s15, s19  }
.Ltmp1:
0x2d: {  	_ = 	snop;
	(pc) =	sbr.rel @!p0 .LBB2_7-.Ltmp1, $3  }
0x2e: {  	_ =	sdelay $0x1  }
0x2f: {  	[sflag:s26] =	ssyncset.done $0x0  }
0x30: {  	[sflag:s26] =	ssyncadd.s32 $0xFFFFD800  }
.LBB2_1:
0x31: {  	s16 =	sand.u32 $0x7E00, s3  }
0x32: {  	s17 =	sand.u32 $0x70, s3;
	s18 =	sshrl.u32 s16, $0x2  }
0x33: {  	s16 =	simm.s32 $0x40;
	s18 =	sor.u32 s17, s18;
	s17 =	simm.s32 $0x0  }
.LBB2_2:
0x34: {  	p0 =	sne.s32 s16, $0x7FC0  }
0x35: {  	[tilespmem:s18+$0x400] =	vst v0;
	s17 =	sadd.s32 $0x10, s17;
	s18 =	smov.u32 s16;
	s16 =	sadd.s32 $0x40, s16  }
.Ltmp2:
0x36: {  	(pc) =	sbr.rel @p0 .LBB2_2-.Ltmp2, $4  }
0x37: {  	_ = 	snop  }
0x38: {  	s18 =	sand.u32 $0x7E00, s18  }
0x39: {  	s19 =	sand.u32 $0x70, s17;
	s18 =	sshrl.u32 s18, $0x2  }
0x3a: {  	s18 =	sor.u32 s19, s18  }
0x3b: {  	[tilespmem:s18+$0x400] =	vst v0  }
0x3c: {  	[spmem:s6] =	stream.linear.scatter [tilespmem:s25], [sflag:$0x7], $0x2000, $0x38;
	[tilespmem:$0x1C400] =	vst v63  }
0x3d: {  	_ =	swait.ge [sflag:s26], $0x2000  }
0x3e: {  	[sflag:s26] =	ssyncset.done $0x0  }
0x3f: {  	s16 =	rddreg [dreg:$0x9];
	[sflag:s26] =	ssyncadd.s32 $0xFFFFE000  }
0x40: {  	[spmem:s16] =	stream.linear.scatter [tilespmem:s25], [sflag:$0x7], $0x2000, $0x38;
	[tilespmem:$0x1C400] =	vst v63  }
0x41: {  	_ =	swait.ge [sflag:s26], $0x2000  }
0x42: {  	[sflag:s26] =	ssyncset.done $0x0  }
0x43: {  	s17 =	rddreg [dreg:$0xa];
	[sflag:s26] =	ssyncadd.s32 $0xFFFFE000  }
0x44: {  	[spmem:s17] =	stream.linear.scatter [tilespmem:s25], [sflag:$0x7], $0x2000, $0x38;
	[tilespmem:$0x1C400] =	vst v63  }
0x45: {  	_ =	swait.ge [sflag:s26], $0x2000  }
0x46: {  	[sflag:s26] =	ssyncset.done $0x0  }
0x47: {  	s18 =	rddreg [dreg:$0xb];
	[sflag:s26] =	ssyncadd.s32 $0xFFFFE000  }
0x48: {  	[spmem:s18] =	stream.linear.scatter [tilespmem:s25], [sflag:$0x7], $0x2000, $0x38;
	[tilespmem:$0x1C400] =	vst v63  }
0x49: {  	_ =	swait.ge [sflag:s26], $0x2000  }
0x4a: {  	[sflag:s26] =	ssyncset.done $0x0  }
0x4b: {  	s19 =	rddreg [dreg:$0xc];
	[sflag:s26] =	ssyncadd.s32 $0xFFFFE000  }
0x4c: {  	[spmem:s19] =	stream.linear.scatter [tilespmem:s25], [sflag:$0x7], $0x2000, $0x38;
	[tilespmem:$0x1C400] =	vst v63  }
0x4d: {  	_ =	swait.ge [sflag:s26], $0x2000  }
0x4e: {  	[sflag:s26] =	ssyncset.done $0x0  }
0x4f: {  	s17 =	rddreg [dreg:$0xd];
	[sflag:s26] =	ssyncadd.s32 $0xFFFFE000  }
0x50: {  	[spmem:s17] =	stream.linear.scatter [tilespmem:s25], [sflag:$0x7], $0x2000, $0x38;
	[tilespmem:$0x1C400] =	vst v63  }
0x51: {  	_ =	swait.ge [sflag:s26], $0x2000  }
0x52: {  	[sflag:s26] =	ssyncset.done $0x0  }
0x53: {  	s18 =	rddreg [dreg:$0xe];
	[sflag:s26] =	ssyncadd.s32 $0xFFFFE000  }
0x54: {  	[spmem:s18] =	stream.linear.scatter [tilespmem:s25], [sflag:$0x7], $0x2000, $0x38;
	[tilespmem:$0x1C400] =	vst v63  }
0x55: {  	_ =	swait.ge [sflag:s26], $0x2000  }
0x56: {  	[sflag:s26] =	ssyncset.done $0x0  }
0x57: {  	s19 =	rddreg [dreg:$0xf];
	[sflag:s26] =	ssyncadd.s32 $0xFFFFE000  }
0x58: {  	[spmem:s19] =	stream.linear.scatter [tilespmem:s25], [sflag:$0x7], $0x2000, $0x38;
	[tilespmem:$0x1C400] =	vst v63  }
0x59: {  	_ =	swait.ge [sflag:s26], $0x2000  }
0x5a: {  	[sflag:s26] =	ssyncset.done $0x0  }
0x5b: {  	s17 =	rddreg [dreg:$0x10];
	[sflag:s26] =	ssyncadd.s32 $0xFFFFE000  }
0x5c: {  	[spmem:s17] =	stream.linear.scatter [tilespmem:s25], [sflag:$0x7], $0x2000, $0x38;
	[tilespmem:$0x1C400] =	vst v63  }
0x5d: {  	_ =	swait.ge [sflag:s26], $0x2000  }
0x5e: {  	[sflag:s26] =	ssyncset.done $0x0  }
0x5f: {  	[sflag:s26] =	ssyncadd.s32 $0xFFFFE000  }
0x60: {  	[spmem:s20] =	stream.linear.scatter [tilespmem:s25], [sflag:$0x7], $0x2000, $0x38;
	[tilespmem:$0x1C400] =	vst v63  }
0x61: {  	_ =	swait.ge [sflag:s26], $0x2000  }
0x62: {  	[sflag:s26] =	ssyncset.done $0x0  }
0x63: {  	[sflag:s26] =	ssyncadd.s32 $0xFFFFE000  }
0x64: {  	s16 =	simm.s32 $0x0;
	[bflag:$0x0] =	sbarrier.arrive $0xFFFF  }
0x65: {  	[tilespmem:s16], [sflag:$0x1] =	stream.linear.gather [hbm4b:s5+s16], $0x100, $0x38;
	[tilespmem:$0x1C400] =	vst v63  }
0x66: {  	s17 =	rddreg [dreg:$0x4]  }
0x67: {  	[tilespmem:s28], [sflag:$0x2] =	stream.linear.gather [hbm4b:s17+s16], $0x100, $0x38;
	[tilespmem:$0x1C400] =	vst v63  }
0x68: {  	s18 =	rddreg [dreg:$0x5]  }
0x69: {  	[tilespmem:s29], [sflag:$0x3] =	stream.linear.gather [hbm4b:s18+s16], $0x100, $0x38;
	[tilespmem:$0x1C400] =	vst v63  }
0x6a: {  	s19 =	rddreg [dreg:$0x6]  }
0x6b: {  	[tilespmem:s30], [sflag:$0x4] =	stream.linear.gather [hbm4b:s19+s16], $0x100, $0x38;
	[tilespmem:$0x1C400] =	vst v63  }
0x6c: {  	_ =	swait.ge [sflag:s31], $0x100  }
0x6d: {  	[sflag:s31] =	ssyncset.done $0x0  }
0x6e: {  	[sflag:s31] =	ssyncadd.s32 $0xFFFFFF00  }
0x6f: {  	[tilespmem:s25], [sflag:$0x5] =	stream.indirect.gather [hbm4b:s4+s0], $0x80, s16, s0, $0xb8;
	[tilespmem:$0x1C400] =	vst v63  }
.LBB2_4:
0x70: {  	_ =	swait.ge [sflag:s1], $0x100  }
0x71: {  	[sflag:s1] =	ssyncset.done $0x0  }
0x72: {  	[sflag:s1] =	ssyncadd.s32 $0xFFFFFF00  }
0x73: {  	[tilespmem:s7], [sflag:$0x6] =	stream.indirect.gather [hbm4b:s4+s0], $0x80, s28, s0, $0xb8;
	[tilespmem:$0x1C400] =	vst v63  }
0x74: {  	_ =	swait.ge [sflag:s8], $0x4000  }
0x75: {  	[sflag:s8] =	ssyncset.done $0x0  }
0x76: {  	[sflag:s8] =	ssyncadd.s32 $0xFFFFC000  }
0x77: {  	[spmem:s2] =	stream.indirect.scatter.add.f32 [tilespmem:s25], [sflag:$0x7], $0x80, s0, s0, $0xb8;
	[tilespmem:$0x1C400] =	vst v63  }
0x78: {  	_ =	swait.ge [sflag:s26], $0x4000  }
0x79: {  	p0 =	seq.s32 s16, $0x980;
	[sflag:s26] =	ssyncset.done $0x0  }
0x7a: {  	s17 =	sadd.s32 @!p0 s16, s24;
	s18 =	simm.s32 @!p0 $0x0;
	[sflag:s26] =	ssyncadd.s32 $0xFFFFC000  }
0x7b: {  	[tilespmem:s18], [sflag:$0x1] =	stream.linear.gather @!p0 [hbm4b:s17+s18], $0x100, $0x38;
	[tilespmem:$0x1C400] =	vst v63  }
0x7c: {  	_ =	swait.ge [sflag:s9], $0x100  }
0x7d: {  	[sflag:s9] =	ssyncset.done $0x0  }
0x7e: {  	[sflag:s9] =	ssyncadd.s32 $0xFFFFFF00  }
0x7f: {  	[tilespmem:s25], [sflag:$0x5] =	stream.indirect.gather [hbm4b:s4+s0], $0x80, s29, s0, $0xb8;
	[tilespmem:$0x1C400] =	vst v63  }
0x80: {  	_ =	swait.ge [sflag:s10], $0x4000  }
0x81: {  	[sflag:s10] =	ssyncset.done $0x0  }
0x82: {  	[sflag:s10] =	ssyncadd.s32 $0xFFFFC000  }
0x83: {  	[spmem:s2] =	stream.indirect.scatter.add.f32 [tilespmem:s7], [sflag:$0x7], $0x80, s11, s0, $0xb8;
	[tilespmem:$0x1C400] =	vst v63  }
0x84: {  	_ =	swait.ge [sflag:s26], $0x4000  }
0x85: {  	[sflag:s26] =	ssyncset.done $0x0  }
0x86: {  	s19 =	simm.s32 @!p0 $0x100;
	s17 =	sadd.s32 @!p0 s16, s23;
	[sflag:s26] =	ssyncadd.s32 $0xFFFFC000  }
0x87: {  	[tilespmem:s19], [sflag:$0x2] =	stream.linear.gather @!p0 [hbm4b:s17+s18], $0x100, $0x38;
	[tilespmem:$0x1C400] =	vst v63  }
0x88: {  	_ =	swait.ge [sflag:s12], $0x100  }
0x89: {  	[sflag:s12] =	ssyncset.done $0x0  }
0x8a: {  	[sflag:s12] =	ssyncadd.s32 $0xFFFFFF00  }
0x8b: {  	[tilespmem:s7], [sflag:$0x6] =	stream.indirect.gather [hbm4b:s4+s0], $0x80, s30, s0, $0xb8;
	[tilespmem:$0x1C400] =	vst v63  }
0x8c: {  	_ =	swait.ge [sflag:s8], $0x4000  }
0x8d: {  	[sflag:s8] =	ssyncset.done $0x0  }
.Ltmp3:
0x8e: {  	[sflag:s8] =	ssyncadd.s32 $0xFFFFC000;
	(pc) =	sbr.rel @p0 .LBB2_6-.Ltmp3, $4  }
0x8f: {  	[spmem:s2] =	stream.indirect.scatter.add.f32 [tilespmem:s25], [sflag:$0x7], $0x80, s13, s0, $0xb8;
	[tilespmem:$0x1C400] =	vst v63  }
0x90: {  	_ =	swait.ge [sflag:s26], $0x4000  }
0x91: {  	[sflag:s26] =	ssyncset.done $0x0  }
0x92: {  	[sflag:s26] =	ssyncadd.s32 $0xFFFFC000  }
0x93: {  	s17 =	sadd.s32 s16, s22  }
0x94: {  	[tilespmem:s29], [sflag:$0x3] =	stream.linear.gather [hbm4b:s17+s3], $0x100, $0x38;
	[tilespmem:$0x1C400] =	vst v63  }
0x95: {  	_ =	swait.ge [sflag:s31], $0x100  }
0x96: {  	[sflag:s31] =	ssyncset.done $0x0  }
0x97: {  	[sflag:s31] =	ssyncadd.s32 $0xFFFFFF00  }
0x98: {  	[tilespmem:s25], [sflag:$0x5] =	stream.indirect.gather [hbm4b:s4+s0], $0x80, s3, s0, $0xb8;
	[tilespmem:$0x1C400] =	vst v63  }
0x99: {  	_ =	swait.ge [sflag:s10], $0x4000  }
0x9a: {  	[sflag:s10] =	ssyncset.done $0x0  }
0x9b: {  	[sflag:s10] =	ssyncadd.s32 $0xFFFFC000  }
0x9c: {  	[spmem:s2] =	stream.indirect.scatter.add.f32 [tilespmem:s7], [sflag:$0x7], $0x80, s14, s0, $0xb8;
	[tilespmem:$0x1C400] =	vst v63  }
.Ltmp4:
0x9d: {  	_ = 	snop;
	(pc) =	sbr.rel .LBB2_4-.Ltmp4, $4  }
0x9e: {  	_ =	swait.ge [sflag:s26], $0x4000  }
0x9f: {  	[sflag:s26] =	ssyncset.done $0x0  }
0xa0: {  	s19 =	sadd.s32 s16, s21;
	s16 =	sadd.s32 $0x80, s16;
	[sflag:s26] =	ssyncadd.s32 $0xFFFFC000  }
0xa1: {  	[tilespmem:s30], [sflag:$0x4] =	stream.linear.gather [hbm4b:s19+s3], $0x100, $0x38;
	[tilespmem:$0x1C400] =	vst v63  }
.LBB2_7:
0xa2: {  	_ =	sfence.sel $0x180000  }
0xa3: {  	[bflag:$0x0] =	sbarrier.arrive $0xFFFF  }
0xa4: {  	_ =	strace $0x9000004A  }
0xa5: {  	s0 =	stileid.u32;
	[bflag:$0x2] =	sbarrier.arrive $0xFFFF  }
0xa6: {  	p0 =	sne.s32 s0, $0x0;
	s0 =	rddreg [dreg:$0x3]  }
0xa7: {  	s0 =	sadd.s32 @!p0 $0x100000, s0  }
0xa8: {  	[sflag:s0] =	ssyncadd.tile.s32 @!p0 $0x1;
	_ =	shalt  }
.Lfunc_end2:
_tile_overlayer_lowered:
.L_overlay_start_2:
0xa9: {  	(tag) =	ssettag $0x2  }
0xaa: {  	s0 =	rddreg [dreg:$0x0];
	s2 =	stileid.u32  }
0xab: {  	s1 =	rddreg [dreg:$0x1];
	p0 =	sne.s32 s2, $0x0  }
0xac: {  	s3 =	rddreg [dreg:$0x2];
	[bflag:$0x3] =	sbarrier.arrive $0xFFFF;
	s2 =	simm.s32 @!p0 $0x1C07  }
0xad: {  	[timem:s3], [sflag:s2] =	dma.local @!p0 [hbm:s0], s1  }
0xae: {  	s0 =	simm.s32 @!p0 $0x7  }
0xaf: {  	_ =	swait.ge @!p0 [sflag:s0], s1  }
0xb0: {  	s1 =	ssub.s32 @!p0 $0x0, s1;
	[sflag:s0] =	ssyncset.done @!p0 $0x0  }
0xb1: {  	[sflag:s0] =	ssyncadd.s32 @!p0 s1  }
0xb2: {  	[bflag:$0x3] =	sbarrier.arrive $0xFFFF  }
0xb3: {  	_ =	shalt  }

</sc_bundles>
